<compile_context>
chip_gen: v7x
topology: tpu7x:2x2x1
jax: 0.10.2.dev20260603
libtpu: 0.0.44.dev20260713+nightly
codegen_flags: <defaults>
</compile_context>

<pallas_src>
import jax
import jax.numpy as jnp
from jax import lax
from jax.experimental import pallas as pl
from jax.experimental.pallas import tpu as pltpu, tpu_sc as plsc

VOCAB = 1000000
DIM = 64
BATCH = 16384
FIELDS = 26

NC = 2
NS = 16
NW = NC * NS

N = BATCH * FIELDS
NPT = N // NW
BPT = BATCH // NW
SUB = 4 * FIELDS
CHUNK = 4 * SUB
BPC = 16
SPC = CHUNK // SUB
NCH = NPT // CHUNK
GROUPS = CHUNK // 2

SHIFTS = (4, 0, 12, 8, 20, 16, 28, 24)


def _dequant_kernel(x_hbm, packed_hbm, absmax_hbm, cb_hbm, out_hbm,
                    idx_v, rows_v0, rows_v1, am_v0, am_v1, out_v0, out_v1,
                    cb_v, gsem0, gsem1, osem0, osem1):
    wid = lax.axis_index("s") * NC + lax.axis_index("c")

    pltpu.sync_copy(cb_hbm, cb_v)
    pltpu.sync_copy(x_hbm.at[pl.ds(wid * (NPT // SUB), NPT // SUB)], idx_v)

    iota = lax.iota(jnp.int32, 16)
    i3 = iota >> 3
    col = iota & 7
    dms = [(iota & 7) * 8 + m for m in range(8)]

    rows = (rows_v0, rows_v1)
    ams = (am_v0, am_v1)
    outs = (out_v0, out_v1)
    gsems = (gsem0, gsem1)
    osems = (osem0, osem1)

    def issue_gathers(ci, b):
        for s in range(SPC):
            ir = idx_v.at[ci * SPC + s]
            pltpu.async_copy(
                packed_hbm.at[ir], rows[b].at[pl.ds(s * SUB, SUB)], gsems[b])
            pltpu.async_copy(
                absmax_hbm.at[ir], ams[b].at[pl.ds(s * SUB, SUB)], gsems[b])

    def wait_gathers(b):
        pltpu.make_async_copy(
            packed_hbm.at[pl.ds(0, CHUNK)], rows[b], gsems[b]).wait()
        pltpu.make_async_copy(
            absmax_hbm.at[pl.ds(0, CHUNK)], ams[b], gsems[b]).wait()

    def wait_out(b):
        pltpu.make_async_copy(
            outs[b], out_hbm.at[pl.ds(0, BPC)], osems[b]).wait()

    issue_gathers(0, 0)
    issue_gathers(1, 1)

    def pair_body(t, _):
        for u in range(2):
            ci = 2 * t + u
            rows_b, am_b, out_b = rows[u], ams[u], outs[u]

            wait_gathers(u)

            @pl.when(ci >= 2)
            def _():
                wait_out(u)

            @plsc.parallel_loop(0, GROUPS, unroll=4)
            def _(g):
                rowv = 2 * g + i3
                w = plsc.load_gather(rows_b, [rowv, col])
                scale = plsc.load_gather(am_b, [rowv])
                bv = (rowv * 2521) >> 16
                fv = rowv - bv * FIELDS
                for m in range(8):
                    q = (w >> SHIFTS[m]) & 15
                    plsc.store_scatter(out_b, [bv, fv, dms[m]],
                                       plsc.load_gather(cb_v, [q]) * scale)

            pltpu.async_copy(
                out_b,
                out_hbm.at[pl.ds(wid * BPT + ci * BPC, BPC)],
                osems[u])

            @pl.when(ci + 2 < NCH)
            def _():
                issue_gathers(ci + 2, u)
        return _

    lax.fori_loop(0, NCH // 2, pair_body, None)
    wait_out(0)
    wait_out(1)


def kernel(x, packed, absmax, codebook):
    packed32 = lax.bitcast_convert_type(
        packed.reshape(VOCAB, DIM // 8, 4), jnp.int32)
    x2d = x.reshape(N // SUB, SUB)

    k = pl.kernel(
        _dequant_kernel,
        out_type=jax.ShapeDtypeStruct((BATCH, FIELDS, DIM), jnp.float32),
        mesh=plsc.VectorSubcoreMesh(
            core_axis_name="c", subcore_axis_name="s",
            num_cores=NC, num_subcores=NS),
        scratch_types=[
            pltpu.VMEM((NPT // SUB, SUB), jnp.int32),
            pltpu.VMEM((CHUNK, DIM // 8), jnp.int32),
            pltpu.VMEM((CHUNK, DIM // 8), jnp.int32),
            pltpu.VMEM((CHUNK,), jnp.float32),
            pltpu.VMEM((CHUNK,), jnp.float32),
            pltpu.VMEM((BPC, FIELDS, DIM), jnp.float32),
            pltpu.VMEM((BPC, FIELDS, DIM), jnp.float32),
            pltpu.VMEM((16,), jnp.float32),
            pltpu.SemaphoreType.DMA,
            pltpu.SemaphoreType.DMA,
            pltpu.SemaphoreType.DMA,
            pltpu.SemaphoreType.DMA,
        ],
        compiler_params=pltpu.CompilerParams(
            needs_layout_passes=False, use_tc_tiling_on_sc=False),
    )
    return k(x2d, packed32, absmax, codebook)

# --- scband reference (transcript-rebuilt; emitter-appended) ---
"""Pipeline reference for scband-bnb4bit-embedding-77068893159749 (READ-ONLY COPY).

The authoritative reference and input builder live on the scoring server;
editing this copy changes nothing except your own understanding.
"""

import jax, jax.numpy as jnp
import numpy as np

VOCAB = 1000000
DIM = 64
CHUNK = 2048
BATCH = 16384
FIELDS = 26

NF4_CODEBOOK = np.array([-1.0, -0.6962, -0.5251, -0.3949, -0.2844, -0.1848, -0.0911, 0.0,
                         0.0796, 0.1609, 0.2461, 0.3379, 0.4407, 0.5626, 0.723, 1.0], dtype=np.float32)


def _quantize_table():
    # Mirrors BNB4bitEmbedding.__init__ quantization (nf4, per-row absmax, 4-bit packing).
    rng = np.random.default_rng(0)
    w = (rng.standard_normal((VOCAB, DIM)).astype(np.float32)) * 0.02
    absmax = np.abs(w).max(axis=1) + 1e-08
    normed = w / absmax[:, None]
    packed = np.empty((VOCAB, DIM // 2), dtype=np.uint8)
    for i in range(0, VOCAB, CHUNK):
        nb = normed[i:i + CHUNK]
        dist = np.abs(nb[:, :, None] - NF4_CODEBOOK[None, None, :])
        q = dist.argmin(axis=-1).astype(np.uint8)
        packed[i:i + CHUNK] = (q[:, 0::2] << 4) | q[:, 1::2]
    return packed, absmax.astype(np.float32)


def setup_inputs(seed: int = 0) -> dict:
    key = jax.random.key(seed)
    packed, absmax = _quantize_table()
    x = jax.random.randint(key, (BATCH, FIELDS), 0, VOCAB, dtype=jnp.int32)
    return {
        "x": x,
        "packed": jnp.asarray(packed),
        "absmax": jnp.asarray(absmax),
        "codebook": jnp.asarray(NF4_CODEBOOK),
    }


def reference(x, packed, absmax, codebook):
    # Faithful dequantizing lookup: gather packed rows, unpack nibbles, codebook dequant, scale by absmax.
    sel = jnp.take(packed, x, axis=0)            # [B, F, DIM//2] uint8
    high = (sel >> 4) & 15
    low = sel & 15
    q = jnp.stack([high, low], axis=-1).reshape(x.shape + (DIM,))  # interleave even/odd
    normed = jnp.take(codebook, q.astype(jnp.int32), axis=0)       # [B, F, DIM]
    scale = jnp.take(absmax, x, axis=0)[..., None]                 # [B, F, 1]
    return normed * scale

if __name__ == "__main__":
    import jax
    _d = setup_inputs()
    print(jax.jit(kernel)(*tuple(_d.values())))

</pallas_src>

<mosaic_0001>
#map = affine_map<(d0, d1) -> (0, 0)>
#map1 = affine_map<(d0, d1) -> (0)>
#map2 = affine_map<(d0, d1) -> (0, 0, 0)>
module attributes {stable_mosaic.version = 14 : i64} {
  func.func @_dequant_kernel(%arg0: i32, %arg1: i32, %arg2: memref<4096x104xi32, #tpu.memory_space<hbm>>, %arg3: memref<1000000x8xi32, #tpu.memory_space<hbm>>, %arg4: memref<1000000xf32, #tpu.memory_space<hbm>>, %arg5: memref<16xf32, #tpu.memory_space<hbm>>, %arg6: memref<16384x26x64xf32, #tpu.memory_space<hbm>>, %arg7: memref<128x104xi32, #tpu.memory_space<vmem>>, %arg8: memref<2048x8xi32, #tpu.memory_space<vmem>>, %arg9: memref<2048x8xi32, #tpu.memory_space<vmem>>, %arg10: memref<2048xf32, #tpu.memory_space<vmem>>, %arg11: memref<2048xf32, #tpu.memory_space<vmem>>, %arg12: memref<16x26x64xf32, #tpu.memory_space<vmem>>, %arg13: memref<16x26x64xf32, #tpu.memory_space<vmem>>, %arg14: memref<16xf32, #tpu.memory_space<vmem>>, %arg15: memref<!tpu.dma_semaphore, #tpu.memory_space<semaphore_mem>>, %arg16: memref<!tpu.dma_semaphore, #tpu.memory_space<semaphore_mem>>, %arg17: memref<!tpu.dma_semaphore, #tpu.memory_space<semaphore_mem>>, %arg18: memref<!tpu.dma_semaphore, #tpu.memory_space<semaphore_mem>>) attributes {dimension_semantics = [#tpu.dimension_semantics<core_parallel>, #tpu.dimension_semantics<subcore_parallel>], iteration_bounds = array<i64: 2, 16>, scalar_prefetch = 0 : i64, scratch_operands = 12 : i64, tpu.core_type = #tpu.core_type<sc_vector_subcore>, window_params = [{transform_indices = #map}, {transform_indices = #map}, {transform_indices = #map1}, {transform_indices = #map1}, {transform_indices = #map2}]} {
    %mul3A = arith.constant 2 : i32
    %mul3A_0 = arith.muli %arg1, %mul3A : i32
    %add3A = arith.addi %mul3A_0, %arg0 : i32
    "tpu.region"() ({
      %run_scoped3A = tpu.sem_alloc : memref<!tpu.dma_semaphore, #tpu.memory_space<semaphore_mem>>
      tpu.enqueue_dma source(%arg5 : memref<16xf32, #tpu.memory_space<hbm>>) target(%arg14 : memref<16xf32, #tpu.memory_space<vmem>>) target_semaphore(%run_scoped3A : memref<!tpu.dma_semaphore, #tpu.memory_space<semaphore_mem>>)
      tpu.wait_dma2 semaphore(%run_scoped3A : memref<!tpu.dma_semaphore, #tpu.memory_space<semaphore_mem>>) src(%arg5 : memref<16xf32, #tpu.memory_space<hbm>>) dst(%arg14 : memref<16xf32, #tpu.memory_space<vmem>>)
      tpu.yield
    }) : () -> ()
    %mul3A_1 = arith.constant 128 : i32
    %mul3A_2 = arith.muli %add3A, %mul3A_1 : i32
    "tpu.region"() ({
      %run_scoped3A = tpu.sem_alloc : memref<!tpu.dma_semaphore, #tpu.memory_space<semaphore_mem>>
      %dma_start3A_241 = arith.constant 0 : i32
      %dma_start3A_242 = tpu.memref_slice %arg2[%mul3A_2, %dma_start3A_241] : memref<4096x104xi32, #tpu.memory_space<hbm>> -> memref<128x104xi32, #tpu.memory_space<hbm>>
      %dma_start3A_243 = arith.constant 0 : i32
      %dma_start3A_244 = tpu.memref_slice %arg2[%mul3A_2, %dma_start3A_243] : memref<4096x104xi32, #tpu.memory_space<hbm>> -> memref<128x104xi32, #tpu.memory_space<hbm>>
      tpu.enqueue_dma source(%dma_start3A_244 : memref<128x104xi32, #tpu.memory_space<hbm>>) target(%arg7 : memref<128x104xi32, #tpu.memory_space<vmem>>) target_semaphore(%run_scoped3A : memref<!tpu.dma_semaphore, #tpu.memory_space<semaphore_mem>>)
      %dma_wait3A_245 = arith.constant 0 : i32
      %dma_wait3A_246 = tpu.memref_slice %arg2[%mul3A_2, %dma_wait3A_245] : memref<4096x104xi32, #tpu.memory_space<hbm>> -> memref<128x104xi32, #tpu.memory_space<hbm>>
      %dma_wait3A_247 = arith.constant 0 : i32
      %dma_wait3A_248 = tpu.memref_slice %arg2[%mul3A_2, %dma_wait3A_247] : memref<4096x104xi32, #tpu.memory_space<hbm>> -> memref<128x104xi32, #tpu.memory_space<hbm>>
      tpu.wait_dma2 semaphore(%run_scoped3A : memref<!tpu.dma_semaphore, #tpu.memory_space<semaphore_mem>>) src(%dma_wait3A_248 : memref<128x104xi32, #tpu.memory_space<hbm>>) dst(%arg7 : memref<128x104xi32, #tpu.memory_space<vmem>>)
      tpu.yield
    }) : () -> ()
    %iota3A = tpu.iota {dimensions = array<i32: 0>} : vector<16xi32>
    %shift_right_arithmetic3A = arith.constant 3 : i32
    %shift_right_arithmetic3A_3 = vector.broadcast %shift_right_arithmetic3A : i32 to vector<16xi32>
    %shift_right_arithmetic3A_4 = arith.shrsi %iota3A, %shift_right_arithmetic3A_3 : vector<16xi32>
    %and3A = arith.constant 7 : i32
    %and3A_5 = vector.broadcast %and3A : i32 to vector<16xi32>
    %and3A_6 = arith.andi %iota3A, %and3A_5 : vector<16xi32>
    %and3A_7 = arith.constant 7 : i32
    %and3A_8 = vector.broadcast %and3A_7 : i32 to vector<16xi32>
    %and3A_9 = arith.andi %iota3A, %and3A_8 : vector<16xi32>
    %mul3A_10 = arith.constant 8 : i32
    %mul3A_11 = vector.broadcast %mul3A_10 : i32 to vector<16xi32>
    %mul3A_12 = arith.muli %and3A_9, %mul3A_11 : vector<16xi32>
    %add3A_13 = arith.constant 0 : i32
    %add3A_14 = vector.broadcast %add3A_13 : i32 to vector<16xi32>
    %add3A_15 = arith.addi %mul3A_12, %add3A_14 : vector<16xi32>
    %and3A_16 = arith.constant 7 : i32
    %and3A_17 = vector.broadcast %and3A_16 : i32 to vector<16xi32>
    %and3A_18 = arith.andi %iota3A, %and3A_17 : vector<16xi32>
    %mul3A_19 = arith.constant 8 : i32
    %mul3A_20 = vector.broadcast %mul3A_19 : i32 to vector<16xi32>
    %mul3A_21 = arith.muli %and3A_18, %mul3A_20 : vector<16xi32>
    %add3A_22 = arith.constant 1 : i32
    %add3A_23 = vector.broadcast %add3A_22 : i32 to vector<16xi32>
    %add3A_24 = arith.addi %mul3A_21, %add3A_23 : vector<16xi32>
    %and3A_25 = arith.constant 7 : i32
    %and3A_26 = vector.broadcast %and3A_25 : i32 to vector<16xi32>
    %and3A_27 = arith.andi %iota3A, %and3A_26 : vector<16xi32>
    %mul3A_28 = arith.constant 8 : i32
    %mul3A_29 = vector.broadcast %mul3A_28 : i32 to vector<16xi32>
    %mul3A_30 = arith.muli %and3A_27, %mul3A_29 : vector<16xi32>
    %add3A_31 = arith.constant 2 : i32
    %add3A_32 = vector.broadcast %add3A_31 : i32 to vector<16xi32>
    %add3A_33 = arith.addi %mul3A_30, %add3A_32 : vector<16xi32>
    %and3A_34 = arith.constant 7 : i32
    %and3A_35 = vector.broadcast %and3A_34 : i32 to vector<16xi32>
    %and3A_36 = arith.andi %iota3A, %and3A_35 : vector<16xi32>
    %mul3A_37 = arith.constant 8 : i32
    %mul3A_38 = vector.broadcast %mul3A_37 : i32 to vector<16xi32>
    %mul3A_39 = arith.muli %and3A_36, %mul3A_38 : vector<16xi32>
    %add3A_40 = arith.constant 3 : i32
    %add3A_41 = vector.broadcast %add3A_40 : i32 to vector<16xi32>
    %add3A_42 = arith.addi %mul3A_39, %add3A_41 : vector<16xi32>
    %and3A_43 = arith.constant 7 : i32
    %and3A_44 = vector.broadcast %and3A_43 : i32 to vector<16xi32>
    %and3A_45 = arith.andi %iota3A, %and3A_44 : vector<16xi32>
    %mul3A_46 = arith.constant 8 : i32
    %mul3A_47 = vector.broadcast %mul3A_46 : i32 to vector<16xi32>
    %mul3A_48 = arith.muli %and3A_45, %mul3A_47 : vector<16xi32>
    %add3A_49 = arith.constant 4 : i32
    %add3A_50 = vector.broadcast %add3A_49 : i32 to vector<16xi32>
    %add3A_51 = arith.addi %mul3A_48, %add3A_50 : vector<16xi32>
    %and3A_52 = arith.constant 7 : i32
    %and3A_53 = vector.broadcast %and3A_52 : i32 to vector<16xi32>
    %and3A_54 = arith.andi %iota3A, %and3A_53 : vector<16xi32>
    %mul3A_55 = arith.constant 8 : i32
    %mul3A_56 = vector.broadcast %mul3A_55 : i32 to vector<16xi32>
    %mul3A_57 = arith.muli %and3A_54, %mul3A_56 : vector<16xi32>
    %add3A_58 = arith.constant 5 : i32
    %add3A_59 = vector.broadcast %add3A_58 : i32 to vector<16xi32>
    %add3A_60 = arith.addi %mul3A_57, %add3A_59 : vector<16xi32>
    %and3A_61 = arith.constant 7 : i32
    %and3A_62 = vector.broadcast %and3A_61 : i32 to vector<16xi32>
    %and3A_63 = arith.andi %iota3A, %and3A_62 : vector<16xi32>
    %mul3A_64 = arith.constant 8 : i32
    %mul3A_65 = vector.broadcast %mul3A_64 : i32 to vector<16xi32>
    %mul3A_66 = arith.muli %and3A_63, %mul3A_65 : vector<16xi32>
    %add3A_67 = arith.constant 6 : i32
    %add3A_68 = vector.broadcast %add3A_67 : i32 to vector<16xi32>
    %add3A_69 = arith.addi %mul3A_66, %add3A_68 : vector<16xi32>
    %and3A_70 = arith.constant 7 : i32
    %and3A_71 = vector.broadcast %and3A_70 : i32 to vector<16xi32>
    %and3A_72 = arith.andi %iota3A, %and3A_71 : vector<16xi32>
    %mul3A_73 = arith.constant 8 : i32
    %mul3A_74 = vector.broadcast %mul3A_73 : i32 to vector<16xi32>
    %mul3A_75 = arith.muli %and3A_72, %mul3A_74 : vector<16xi32>
    %add3A_76 = arith.constant 7 : i32
    %add3A_77 = vector.broadcast %add3A_76 : i32 to vector<16xi32>
    %add3A_78 = arith.addi %mul3A_75, %add3A_77 : vector<16xi32>
    %dma_start3A = arith.constant 0 : i32
    %dma_start3A_79 = arith.constant 0 : i32
    %dma_start3A_80 = arith.constant 0 : i32
    %dma_start3A_81 = tpu.memref_slice %arg8[%dma_start3A_79, %dma_start3A_80] : memref<2048x8xi32, #tpu.memory_space<vmem>> -> memref<104x8xi32, #tpu.memory_space<vmem>>
    %dma_start3A_82 = arith.constant 0 : i32
    %dma_start3A_83 = tpu.memref_slice %arg7[%dma_start3A, %dma_start3A_82] : memref<128x104xi32, #tpu.memory_space<vmem>> -> memref<1x104xi32, #tpu.memory_space<vmem>>
    %dma_start3A_84 = tpu.memref_squeeze %dma_start3A_83 : memref<1x104xi32, #tpu.memory_space<vmem>> -> memref<104xi32, #tpu.memory_space<vmem>>
    %dma_start3A_85 = arith.constant 0 : i32
    %dma_start3A_86 = arith.constant 0 : i32
    %dma_start3A_87 = tpu.memref_slice %arg3[%dma_start3A_85, %dma_start3A_86] : memref<1000000x8xi32, #tpu.memory_space<hbm>> -> memref<1000000x8xi32, #tpu.memory_space<hbm>>
    tpu.enqueue_indirect_dma source(%dma_start3A_87 : memref<1000000x8xi32, #tpu.memory_space<hbm>>) target(%dma_start3A_81 : memref<104x8xi32, #tpu.memory_space<vmem>>) offsets(%dma_start3A_84 : memref<104xi32, #tpu.memory_space<vmem>>) semaphore(%arg15 : memref<!tpu.dma_semaphore, #tpu.memory_space<semaphore_mem>>)
    %dma_start3A_88 = arith.constant 0 : i32
    %dma_start3A_89 = arith.constant 0 : i32
    %dma_start3A_90 = tpu.memref_slice %arg10[%dma_start3A_89] : memref<2048xf32, #tpu.memory_space<vmem>> -> memref<104xf32, #tpu.memory_space<vmem>>
    %dma_start3A_91 = arith.constant 0 : i32
    %dma_start3A_92 = tpu.memref_slice %arg7[%dma_start3A_88, %dma_start3A_91] : memref<128x104xi32, #tpu.memory_space<vmem>> -> memref<1x104xi32, #tpu.memory_space<vmem>>
    %dma_start3A_93 = tpu.memref_squeeze %dma_start3A_92 : memref<1x104xi32, #tpu.memory_space<vmem>> -> memref<104xi32, #tpu.memory_space<vmem>>
    %dma_start3A_94 = arith.constant 0 : i32
    %dma_start3A_95 = tpu.memref_slice %arg4[%dma_start3A_94] : memref<1000000xf32, #tpu.memory_space<hbm>> -> memref<1000000xf32, #tpu.memory_space<hbm>>
    tpu.enqueue_indirect_dma source(%dma_start3A_95 : memref<1000000xf32, #tpu.memory_space<hbm>>) target(%dma_start3A_90 : memref<104xf32, #tpu.memory_space<vmem>>) offsets(%dma_start3A_93 : memref<104xi32, #tpu.memory_space<vmem>>) semaphore(%arg15 : memref<!tpu.dma_semaphore, #tpu.memory_space<semaphore_mem>>)
    %dma_start3A_96 = arith.constant 1 : i32
    %dma_start3A_97 = arith.constant 104 : i32
    %dma_start3A_98 = arith.constant 0 : i32
    %dma_start3A_99 = tpu.memref_slice %arg8[%dma_start3A_97, %dma_start3A_98] : memref<2048x8xi32, #tpu.memory_space<vmem>> -> memref<104x8xi32, #tpu.memory_space<vmem>>
    %dma_start3A_100 = arith.constant 0 : i32
    %dma_start3A_101 = tpu.memref_slice %arg7[%dma_start3A_96, %dma_start3A_100] : memref<128x104xi32, #tpu.memory_space<vmem>> -> memref<1x104xi32, #tpu.memory_space<vmem>>
    %dma_start3A_102 = tpu.memref_squeeze %dma_start3A_101 : memref<1x104xi32, #tpu.memory_space<vmem>> -> memref<104xi32, #tpu.memory_space<vmem>>
    %dma_start3A_103 = arith.constant 0 : i32
    %dma_start3A_104 = arith.constant 0 : i32
    %dma_start3A_105 = tpu.memref_slice %arg3[%dma_start3A_103, %dma_start3A_104] : memref<1000000x8xi32, #tpu.memory_space<hbm>> -> memref<1000000x8xi32, #tpu.memory_space<hbm>>
    tpu.enqueue_indirect_dma source(%dma_start3A_105 : memref<1000000x8xi32, #tpu.memory_space<hbm>>) target(%dma_start3A_99 : memref<104x8xi32, #tpu.memory_space<vmem>>) offsets(%dma_start3A_102 : memref<104xi32, #tpu.memory_space<vmem>>) semaphore(%arg15 : memref<!tpu.dma_semaphore, #tpu.memory_space<semaphore_mem>>)
    %dma_start3A_106 = arith.constant 1 : i32
    %dma_start3A_107 = arith.constant 104 : i32
    %dma_start3A_108 = tpu.memref_slice %arg10[%dma_start3A_107] : memref<2048xf32, #tpu.memory_space<vmem>> -> memref<104xf32, #tpu.memory_space<vmem>>
    %dma_start3A_109 = arith.constant 0 : i32
    %dma_start3A_110 = tpu.memref_slice %arg7[%dma_start3A_106, %dma_start3A_109] : memref<128x104xi32, #tpu.memory_space<vmem>> -> memref<1x104xi32, #tpu.memory_space<vmem>>
    %dma_start3A_111 = tpu.memref_squeeze %dma_start3A_110 : memref<1x104xi32, #tpu.memory_space<vmem>> -> memref<104xi32, #tpu.memory_space<vmem>>
    %dma_start3A_112 = arith.constant 0 : i32
    %dma_start3A_113 = tpu.memref_slice %arg4[%dma_start3A_112] : memref<1000000xf32, #tpu.memory_space<hbm>> -> memref<1000000xf32, #tpu.memory_space<hbm>>
    tpu.enqueue_indirect_dma source(%dma_start3A_113 : memref<1000000xf32, #tpu.memory_space<hbm>>) target(%dma_start3A_108 : memref<104xf32, #tpu.memory_space<vmem>>) offsets(%dma_start3A_111 : memref<104xi32, #tpu.memory_space<vmem>>) semaphore(%arg15 : memref<!tpu.dma_semaphore, #tpu.memory_space<semaphore_mem>>)
    %dma_start3A_114 = arith.constant 2 : i32
    %dma_start3A_115 = arith.constant 208 : i32
    %dma_start3A_116 = arith.constant 0 : i32
    %dma_start3A_117 = tpu.memref_slice %arg8[%dma_start3A_115, %dma_start3A_116] : memref<2048x8xi32, #tpu.memory_space<vmem>> -> memref<104x8xi32, #tpu.memory_space<vmem>>
    %dma_start3A_118 = arith.constant 0 : i32
    %dma_start3A_119 = tpu.memref_slice %arg7[%dma_start3A_114, %dma_start3A_118] : memref<128x104xi32, #tpu.memory_space<vmem>> -> memref<1x104xi32, #tpu.memory_space<vmem>>
    %dma_start3A_120 = tpu.memref_squeeze %dma_start3A_119 : memref<1x104xi32, #tpu.memory_space<vmem>> -> memref<104xi32, #tpu.memory_space<vmem>>
    %dma_start3A_121 = arith.constant 0 : i32
    %dma_start3A_122 = arith.constant 0 : i32
    %dma_start3A_123 = tpu.memref_slice %arg3[%dma_start3A_121, %dma_start3A_122] : memref<1000000x8xi32, #tpu.memory_space<hbm>> -> memref<1000000x8xi32, #tpu.memory_space<hbm>>
    tpu.enqueue_indirect_dma source(%dma_start3A_123 : memref<1000000x8xi32, #tpu.memory_space<hbm>>) target(%dma_start3A_117 : memref<104x8xi32, #tpu.memory_space<vmem>>) offsets(%dma_start3A_120 : memref<104xi32, #tpu.memory_space<vmem>>) semaphore(%arg15 : memref<!tpu.dma_semaphore, #tpu.memory_space<semaphore_mem>>)
    %dma_start3A_124 = arith.constant 2 : i32
    %dma_start3A_125 = arith.constant 208 : i32
    %dma_start3A_126 = tpu.memref_slice %arg10[%dma_start3A_125] : memref<2048xf32, #tpu.memory_space<vmem>> -> memref<104xf32, #tpu.memory_space<vmem>>
    %dma_start3A_127 = arith.constant 0 : i32
    %dma_start3A_128 = tpu.memref_slice %arg7[%dma_start3A_124, %dma_start3A_127] : memref<128x104xi32, #tpu.memory_space<vmem>> -> memref<1x104xi32, #tpu.memory_space<vmem>>
    %dma_start3A_129 = tpu.memref_squeeze %dma_start3A_128 : memref<1x104xi32, #tpu.memory_space<vmem>> -> memref<104xi32, #tpu.memory_space<vmem>>
    %dma_start3A_130 = arith.constant 0 : i32
    %dma_start3A_131 = tpu.memref_slice %arg4[%dma_start3A_130] : memref<1000000xf32, #tpu.memory_space<hbm>> -> memref<1000000xf32, #tpu.memory_space<hbm>>
    tpu.enqueue_indirect_dma source(%dma_start3A_131 : memref<1000000xf32, #tpu.memory_space<hbm>>) target(%dma_start3A_126 : memref<104xf32, #tpu.memory_space<vmem>>) offsets(%dma_start3A_129 : memref<104xi32, #tpu.memory_space<vmem>>) semaphore(%arg15 : memref<!tpu.dma_semaphore, #tpu.memory_space<semaphore_mem>>)
    %dma_start3A_132 = arith.constant 3 : i32
    %dma_start3A_133 = arith.constant 312 : i32
    %dma_start3A_134 = arith.constant 0 : i32
    %dma_start3A_135 = tpu.memref_slice %arg8[%dma_start3A_133, %dma_start3A_134] : memref<2048x8xi32, #tpu.memory_space<vmem>> -> memref<104x8xi32, #tpu.memory_space<vmem>>
    %dma_start3A_136 = arith.constant 0 : i32
    %dma_start3A_137 = tpu.memref_slice %arg7[%dma_start3A_132, %dma_start3A_136] : memref<128x104xi32, #tpu.memory_space<vmem>> -> memref<1x104xi32, #tpu.memory_space<vmem>>
    %dma_start3A_138 = tpu.memref_squeeze %dma_start3A_137 : memref<1x104xi32, #tpu.memory_space<vmem>> -> memref<104xi32, #tpu.memory_space<vmem>>
    %dma_start3A_139 = arith.constant 0 : i32
    %dma_start3A_140 = arith.constant 0 : i32
    %dma_start3A_141 = tpu.memref_slice %arg3[%dma_start3A_139, %dma_start3A_140] : memref<1000000x8xi32, #tpu.memory_space<hbm>> -> memref<1000000x8xi32, #tpu.memory_space<hbm>>
    tpu.enqueue_indirect_dma source(%dma_start3A_141 : memref<1000000x8xi32, #tpu.memory_space<hbm>>) target(%dma_start3A_135 : memref<104x8xi32, #tpu.memory_space<vmem>>) offsets(%dma_start3A_138 : memref<104xi32, #tpu.memory_space<vmem>>) semaphore(%arg15 : memref<!tpu.dma_semaphore, #tpu.memory_space<semaphore_mem>>)
    %dma_start3A_142 = arith.constant 3 : i32
    %dma_start3A_143 = arith.constant 312 : i32
    %dma_start3A_144 = tpu.memref_slice %arg10[%dma_start3A_143] : memref<2048xf32, #tpu.memory_space<vmem>> -> memref<104xf32, #tpu.memory_space<vmem>>
    %dma_start3A_145 = arith.constant 0 : i32
    %dma_start3A_146 = tpu.memref_slice %arg7[%dma_start3A_142, %dma_start3A_145] : memref<128x104xi32, #tpu.memory_space<vmem>> -> memref<1x104xi32, #tpu.memory_space<vmem>>
    %dma_start3A_147 = tpu.memref_squeeze %dma_start3A_146 : memref<1x104xi32, #tpu.memory_space<vmem>> -> memref<104xi32, #tpu.memory_space<vmem>>
    %dma_start3A_148 = arith.constant 0 : i32
    %dma_start3A_149 = tpu.memref_slice %arg4[%dma_start3A_148] : memref<1000000xf32, #tpu.memory_space<hbm>> -> memref<1000000xf32, #tpu.memory_space<hbm>>
    tpu.enqueue_indirect_dma source(%dma_start3A_149 : memref<1000000xf32, #tpu.memory_space<hbm>>) target(%dma_start3A_144 : memref<104xf32, #tpu.memory_space<vmem>>) offsets(%dma_start3A_147 : memref<104xi32, #tpu.memory_space<vmem>>) semaphore(%arg15 : memref<!tpu.dma_semaphore, #tpu.memory_space<semaphore_mem>>)
    %dma_start3A_150 = arith.constant 4 : i32
    %dma_start3A_151 = arith.constant 0 : i32
    %dma_start3A_152 = arith.constant 0 : i32
    %dma_start3A_153 = tpu.memref_slice %arg9[%dma_start3A_151, %dma_start3A_152] : memref<2048x8xi32, #tpu.memory_space<vmem>> -> memref<104x8xi32, #tpu.memory_space<vmem>>
    %dma_start3A_154 = arith.constant 0 : i32
    %dma_start3A_155 = tpu.memref_slice %arg7[%dma_start3A_150, %dma_start3A_154] : memref<128x104xi32, #tpu.memory_space<vmem>> -> memref<1x104xi32, #tpu.memory_space<vmem>>
    %dma_start3A_156 = tpu.memref_squeeze %dma_start3A_155 : memref<1x104xi32, #tpu.memory_space<vmem>> -> memref<104xi32, #tpu.memory_space<vmem>>
    %dma_start3A_157 = arith.constant 0 : i32
    %dma_start3A_158 = arith.constant 0 : i32
    %dma_start3A_159 = tpu.memref_slice %arg3[%dma_start3A_157, %dma_start3A_158] : memref<1000000x8xi32, #tpu.memory_space<hbm>> -> memref<1000000x8xi32, #tpu.memory_space<hbm>>
    tpu.enqueue_indirect_dma source(%dma_start3A_159 : memref<1000000x8xi32, #tpu.memory_space<hbm>>) target(%dma_start3A_153 : memref<104x8xi32, #tpu.memory_space<vmem>>) offsets(%dma_start3A_156 : memref<104xi32, #tpu.memory_space<vmem>>) semaphore(%arg16 : memref<!tpu.dma_semaphore, #tpu.memory_space<semaphore_mem>>)
    %dma_start3A_160 = arith.constant 4 : i32
    %dma_start3A_161 = arith.constant 0 : i32
    %dma_start3A_162 = tpu.memref_slice %arg11[%dma_start3A_161] : memref<2048xf32, #tpu.memory_space<vmem>> -> memref<104xf32, #tpu.memory_space<vmem>>
    %dma_start3A_163 = arith.constant 0 : i32
    %dma_start3A_164 = tpu.memref_slice %arg7[%dma_start3A_160, %dma_start3A_163] : memref<128x104xi32, #tpu.memory_space<vmem>> -> memref<1x104xi32, #tpu.memory_space<vmem>>
    %dma_start3A_165 = tpu.memref_squeeze %dma_start3A_164 : memref<1x104xi32, #tpu.memory_space<vmem>> -> memref<104xi32, #tpu.memory_space<vmem>>
    %dma_start3A_166 = arith.constant 0 : i32
    %dma_start3A_167 = tpu.memref_slice %arg4[%dma_start3A_166] : memref<1000000xf32, #tpu.memory_space<hbm>> -> memref<1000000xf32, #tpu.memory_space<hbm>>
    tpu.enqueue_indirect_dma source(%dma_start3A_167 : memref<1000000xf32, #tpu.memory_space<hbm>>) target(%dma_start3A_162 : memref<104xf32, #tpu.memory_space<vmem>>) offsets(%dma_start3A_165 : memref<104xi32, #tpu.memory_space<vmem>>) semaphore(%arg16 : memref<!tpu.dma_semaphore, #tpu.memory_space<semaphore_mem>>)
    %dma_start3A_168 = arith.constant 5 : i32
    %dma_start3A_169 = arith.constant 104 : i32
    %dma_start3A_170 = arith.constant 0 : i32
    %dma_start3A_171 = tpu.memref_slice %arg9[%dma_start3A_169, %dma_start3A_170] : memref<2048x8xi32, #tpu.memory_space<vmem>> -> memref<104x8xi32, #tpu.memory_space<vmem>>
    %dma_start3A_172 = arith.constant 0 : i32
    %dma_start3A_173 = tpu.memref_slice %arg7[%dma_start3A_168, %dma_start3A_172] : memref<128x104xi32, #tpu.memory_space<vmem>> -> memref<1x104xi32, #tpu.memory_space<vmem>>
    %dma_start3A_174 = tpu.memref_squeeze %dma_start3A_173 : memref<1x104xi32, #tpu.memory_space<vmem>> -> memref<104xi32, #tpu.memory_space<vmem>>
    %dma_start3A_175 = arith.constant 0 : i32
    %dma_start3A_176 = arith.constant 0 : i32
    %dma_start3A_177 = tpu.memref_slice %arg3[%dma_start3A_175, %dma_start3A_176] : memref<1000000x8xi32, #tpu.memory_space<hbm>> -> memref<1000000x8xi32, #tpu.memory_space<hbm>>
    tpu.enqueue_indirect_dma source(%dma_start3A_177 : memref<1000000x8xi32, #tpu.memory_space<hbm>>) target(%dma_start3A_171 : memref<104x8xi32, #tpu.memory_space<vmem>>) offsets(%dma_start3A_174 : memref<104xi32, #tpu.memory_space<vmem>>) semaphore(%arg16 : memref<!tpu.dma_semaphore, #tpu.memory_space<semaphore_mem>>)
    %dma_start3A_178 = arith.constant 5 : i32
    %dma_start3A_179 = arith.constant 104 : i32
    %dma_start3A_180 = tpu.memref_slice %arg11[%dma_start3A_179] : memref<2048xf32, #tpu.memory_space<vmem>> -> memref<104xf32, #tpu.memory_space<vmem>>
    %dma_start3A_181 = arith.constant 0 : i32
    %dma_start3A_182 = tpu.memref_slice %arg7[%dma_start3A_178, %dma_start3A_181] : memref<128x104xi32, #tpu.memory_space<vmem>> -> memref<1x104xi32, #tpu.memory_space<vmem>>
    %dma_start3A_183 = tpu.memref_squeeze %dma_start3A_182 : memref<1x104xi32, #tpu.memory_space<vmem>> -> memref<104xi32, #tpu.memory_space<vmem>>
    %dma_start3A_184 = arith.constant 0 : i32
    %dma_start3A_185 = tpu.memref_slice %arg4[%dma_start3A_184] : memref<1000000xf32, #tpu.memory_space<hbm>> -> memref<1000000xf32, #tpu.memory_space<hbm>>
    tpu.enqueue_indirect_dma source(%dma_start3A_185 : memref<1000000xf32, #tpu.memory_space<hbm>>) target(%dma_start3A_180 : memref<104xf32, #tpu.memory_space<vmem>>) offsets(%dma_start3A_183 : memref<104xi32, #tpu.memory_space<vmem>>) semaphore(%arg16 : memref<!tpu.dma_semaphore, #tpu.memory_space<semaphore_mem>>)
    %dma_start3A_186 = arith.constant 6 : i32
    %dma_start3A_187 = arith.constant 208 : i32
    %dma_start3A_188 = arith.constant 0 : i32
    %dma_start3A_189 = tpu.memref_slice %arg9[%dma_start3A_187, %dma_start3A_188] : memref<2048x8xi32, #tpu.memory_space<vmem>> -> memref<104x8xi32, #tpu.memory_space<vmem>>
    %dma_start3A_190 = arith.constant 0 : i32
    %dma_start3A_191 = tpu.memref_slice %arg7[%dma_start3A_186, %dma_start3A_190] : memref<128x104xi32, #tpu.memory_space<vmem>> -> memref<1x104xi32, #tpu.memory_space<vmem>>
    %dma_start3A_192 = tpu.memref_squeeze %dma_start3A_191 : memref<1x104xi32, #tpu.memory_space<vmem>> -> memref<104xi32, #tpu.memory_space<vmem>>
    %dma_start3A_193 = arith.constant 0 : i32
    %dma_start3A_194 = arith.constant 0 : i32
    %dma_start3A_195 = tpu.memref_slice %arg3[%dma_start3A_193, %dma_start3A_194] : memref<1000000x8xi32, #tpu.memory_space<hbm>> -> memref<1000000x8xi32, #tpu.memory_space<hbm>>
    tpu.enqueue_indirect_dma source(%dma_start3A_195 : memref<1000000x8xi32, #tpu.memory_space<hbm>>) target(%dma_start3A_189 : memref<104x8xi32, #tpu.memory_space<vmem>>) offsets(%dma_start3A_192 : memref<104xi32, #tpu.memory_space<vmem>>) semaphore(%arg16 : memref<!tpu.dma_semaphore, #tpu.memory_space<semaphore_mem>>)
    %dma_start3A_196 = arith.constant 6 : i32
    %dma_start3A_197 = arith.constant 208 : i32
    %dma_start3A_198 = tpu.memref_slice %arg11[%dma_start3A_197] : memref<2048xf32, #tpu.memory_space<vmem>> -> memref<104xf32, #tpu.memory_space<vmem>>
    %dma_start3A_199 = arith.constant 0 : i32
    %dma_start3A_200 = tpu.memref_slice %arg7[%dma_start3A_196, %dma_start3A_199] : memref<128x104xi32, #tpu.memory_space<vmem>> -> memref<1x104xi32, #tpu.memory_space<vmem>>
    %dma_start3A_201 = tpu.memref_squeeze %dma_start3A_200 : memref<1x104xi32, #tpu.memory_space<vmem>> -> memref<104xi32, #tpu.memory_space<vmem>>
    %dma_start3A_202 = arith.constant 0 : i32
    %dma_start3A_203 = tpu.memref_slice %arg4[%dma_start3A_202] : memref<1000000xf32, #tpu.memory_space<hbm>> -> memref<1000000xf32, #tpu.memory_space<hbm>>
    tpu.enqueue_indirect_dma source(%dma_start3A_203 : memref<1000000xf32, #tpu.memory_space<hbm>>) target(%dma_start3A_198 : memref<104xf32, #tpu.memory_space<vmem>>) offsets(%dma_start3A_201 : memref<104xi32, #tpu.memory_space<vmem>>) semaphore(%arg16 : memref<!tpu.dma_semaphore, #tpu.memory_space<semaphore_mem>>)
    %dma_start3A_204 = arith.constant 7 : i32
    %dma_start3A_205 = arith.constant 312 : i32
    %dma_start3A_206 = arith.constant 0 : i32
    %dma_start3A_207 = tpu.memref_slice %arg9[%dma_start3A_205, %dma_start3A_206] : memref<2048x8xi32, #tpu.memory_space<vmem>> -> memref<104x8xi32, #tpu.memory_space<vmem>>
    %dma_start3A_208 = arith.constant 0 : i32
    %dma_start3A_209 = tpu.memref_slice %arg7[%dma_start3A_204, %dma_start3A_208] : memref<128x104xi32, #tpu.memory_space<vmem>> -> memref<1x104xi32, #tpu.memory_space<vmem>>
    %dma_start3A_210 = tpu.memref_squeeze %dma_start3A_209 : memref<1x104xi32, #tpu.memory_space<vmem>> -> memref<104xi32, #tpu.memory_space<vmem>>
    %dma_start3A_211 = arith.constant 0 : i32
    %dma_start3A_212 = arith.constant 0 : i32
    %dma_start3A_213 = tpu.memref_slice %arg3[%dma_start3A_211, %dma_start3A_212] : memref<1000000x8xi32, #tpu.memory_space<hbm>> -> memref<1000000x8xi32, #tpu.memory_space<hbm>>
    tpu.enqueue_indirect_dma source(%dma_start3A_213 : memref<1000000x8xi32, #tpu.memory_space<hbm>>) target(%dma_start3A_207 : memref<104x8xi32, #tpu.memory_space<vmem>>) offsets(%dma_start3A_210 : memref<104xi32, #tpu.memory_space<vmem>>) semaphore(%arg16 : memref<!tpu.dma_semaphore, #tpu.memory_space<semaphore_mem>>)
    %dma_start3A_214 = arith.constant 7 : i32
    %dma_start3A_215 = arith.constant 312 : i32
    %dma_start3A_216 = tpu.memref_slice %arg11[%dma_start3A_215] : memref<2048xf32, #tpu.memory_space<vmem>> -> memref<104xf32, #tpu.memory_space<vmem>>
    %dma_start3A_217 = arith.constant 0 : i32
    %dma_start3A_218 = tpu.memref_slice %arg7[%dma_start3A_214, %dma_start3A_217] : memref<128x104xi32, #tpu.memory_space<vmem>> -> memref<1x104xi32, #tpu.memory_space<vmem>>
    %dma_start3A_219 = tpu.memref_squeeze %dma_start3A_218 : memref<1x104xi32, #tpu.memory_space<vmem>> -> memref<104xi32, #tpu.memory_space<vmem>>
    %dma_start3A_220 = arith.constant 0 : i32
    %dma_start3A_221 = tpu.memref_slice %arg4[%dma_start3A_220] : memref<1000000xf32, #tpu.memory_space<hbm>> -> memref<1000000xf32, #tpu.memory_space<hbm>>
    tpu.enqueue_indirect_dma source(%dma_start3A_221 : memref<1000000xf32, #tpu.memory_space<hbm>>) target(%dma_start3A_216 : memref<104xf32, #tpu.memory_space<vmem>>) offsets(%dma_start3A_219 : memref<104xi32, #tpu.memory_space<vmem>>) semaphore(%arg16 : memref<!tpu.dma_semaphore, #tpu.memory_space<semaphore_mem>>)
    %scan3A = arith.constant 0 : i32
    %scan3A_222 = arith.constant 16 : i32
    %scan3A_223 = arith.addi %scan3A, %scan3A_222 : i32
    %scan3A_224 = arith.constant 1 : i32
    scf.for %scan3A_241 = %scan3A to %scan3A_223 step %scan3A_224  : i32 {
      %mul3A_242 = arith.constant 2 : i32
      %mul3A_243 = arith.muli %mul3A_242, %scan3A_241 : i32
      %add3A_244 = arith.constant 0 : i32
      %add3A_245 = arith.addi %mul3A_243, %add3A_244 : i32
      %dma_wait3A_246 = arith.constant 0 : i32
      %dma_wait3A_247 = arith.constant 0 : i32
      %dma_wait3A_248 = tpu.memref_slice %arg3[%dma_wait3A_246, %dma_wait3A_247] : memref<1000000x8xi32, #tpu.memory_space<hbm>> -> memref<2048x8xi32, #tpu.memory_space<hbm>>
      %dma_wait3A_249 = arith.constant 0 : i32
      %dma_wait3A_250 = arith.constant 0 : i32
      %dma_wait3A_251 = tpu.memref_slice %arg3[%dma_wait3A_249, %dma_wait3A_250] : memref<1000000x8xi32, #tpu.memory_space<hbm>> -> memref<2048x8xi32, #tpu.memory_space<hbm>>
      tpu.wait_dma2 semaphore(%arg15 : memref<!tpu.dma_semaphore, #tpu.memory_space<semaphore_mem>>) src(%dma_wait3A_251 : memref<2048x8xi32, #tpu.memory_space<hbm>>) dst(%arg8 : memref<2048x8xi32, #tpu.memory_space<vmem>>)
      %dma_wait3A_252 = arith.constant 0 : i32
      %dma_wait3A_253 = tpu.memref_slice %arg4[%dma_wait3A_252] : memref<1000000xf32, #tpu.memory_space<hbm>> -> memref<2048xf32, #tpu.memory_space<hbm>>
      %dma_wait3A_254 = arith.constant 0 : i32
      %dma_wait3A_255 = tpu.memref_slice %arg4[%dma_wait3A_254] : memref<1000000xf32, #tpu.memory_space<hbm>> -> memref<2048xf32, #tpu.memory_space<hbm>>
      tpu.wait_dma2 semaphore(%arg15 : memref<!tpu.dma_semaphore, #tpu.memory_space<semaphore_mem>>) src(%dma_wait3A_255 : memref<2048xf32, #tpu.memory_space<hbm>>) dst(%arg10 : memref<2048xf32, #tpu.memory_space<vmem>>)
      %ge3A = arith.constant 2 : i32
      %ge3A_256 = arith.cmpi sge, %add3A_245, %ge3A : i32
      %convert_element_type3A = arith.extui %ge3A_256 : i1 to i32
      %cond3A = arith.constant 0 : i32
      %cond3A_257 = arith.cmpi ne, %convert_element_type3A, %cond3A : i32
      scf.if %cond3A_257 {
        %dma_wait3A_317 = arith.constant 0 : i32
        %dma_wait3A_318 = arith.constant 0 : i32
        %dma_wait3A_319 = arith.constant 0 : i32
        %dma_wait3A_320 = tpu.memref_slice %arg6[%dma_wait3A_317, %dma_wait3A_318, %dma_wait3A_319] : memref<16384x26x64xf32, #tpu.memory_space<hbm>> -> memref<16x26x64xf32, #tpu.memory_space<hbm>>
        %dma_wait3A_321 = arith.constant 0 : i32
        %dma_wait3A_322 = arith.constant 0 : i32
        %dma_wait3A_323 = arith.constant 0 : i32
        %dma_wait3A_324 = tpu.memref_slice %arg6[%dma_wait3A_321, %dma_wait3A_322, %dma_wait3A_323] : memref<16384x26x64xf32, #tpu.memory_space<hbm>> -> memref<16x26x64xf32, #tpu.memory_space<hbm>>
        tpu.wait_dma2 semaphore(%arg17 : memref<!tpu.dma_semaphore, #tpu.memory_space<semaphore_mem>>) src(%arg12 : memref<16x26x64xf32, #tpu.memory_space<vmem>>) dst(%dma_wait3A_324 : memref<16x26x64xf32, #tpu.memory_space<hbm>>)
      } else {
      }
      %parallel_loop3A = arith.constant 0 : i32
      %parallel_loop3A_258 = arith.constant 208 : i32
      %parallel_loop3A_259 = arith.constant 1 : i32
      scf.for %parallel_loop3A_317 = %parallel_loop3A to %parallel_loop3A_258 step %parallel_loop3A_259  : i32 {
        %parallel_loop3A_318 = arith.constant 2 : i32
        %parallel_loop3A_319 = arith.muli %parallel_loop3A_318, %parallel_loop3A_317 : i32
        %parallel_loop3A_320 = vector.broadcast %parallel_loop3A_319 : i32 to vector<16xi32>
        %parallel_loop3A_321 = arith.addi %parallel_loop3A_320, %shift_right_arithmetic3A_4 : vector<16xi32>
        %parallel_loop3A_322 = tpu.vector_load_idx %arg8[%parallel_loop3A_321, %and3A_6] : memref<2048x8xi32, #tpu.memory_space<vmem>>[vector<16xi32>, vector<16xi32>], vector<16xi32>,
        %parallel_loop3A_323 = tpu.vector_load_idx %arg10[%parallel_loop3A_321] : memref<2048xf32, #tpu.memory_space<vmem>>[vector<16xi32>], vector<16xf32>,
        %parallel_loop3A_324 = arith.constant 2521 : i32
        %parallel_loop3A_325 = vector.broadcast %parallel_loop3A_324 : i32 to vector<16xi32>
        %parallel_loop3A_326 = arith.muli %parallel_loop3A_321, %parallel_loop3A_325 : vector<16xi32>
        %parallel_loop3A_327 = arith.constant 16 : i32
        %parallel_loop3A_328 = vector.broadcast %parallel_loop3A_327 : i32 to vector<16xi32>
        %parallel_loop3A_329 = arith.shrsi %parallel_loop3A_326, %parallel_loop3A_328 : vector<16xi32>
        %parallel_loop3A_330 = arith.constant 26 : i32
        %parallel_loop3A_331 = vector.broadcast %parallel_loop3A_330 : i32 to vector<16xi32>
        %parallel_loop3A_332 = arith.muli %parallel_loop3A_329, %parallel_loop3A_331 : vector<16xi32>
        %parallel_loop3A_333 = arith.subi %parallel_loop3A_321, %parallel_loop3A_332 : vector<16xi32>
        %parallel_loop3A_334 = arith.constant 4 : i32
        %parallel_loop3A_335 = vector.broadcast %parallel_loop3A_334 : i32 to vector<16xi32>
        %parallel_loop3A_336 = arith.shrsi %parallel_loop3A_322, %parallel_loop3A_335 : vector<16xi32>
        %parallel_loop3A_337 = arith.constant 15 : i32
        %parallel_loop3A_338 = vector.broadcast %parallel_loop3A_337 : i32 to vector<16xi32>
        %parallel_loop3A_339 = arith.andi %parallel_loop3A_336, %parallel_loop3A_338 : vector<16xi32>
        %parallel_loop3A_340 = tpu.vector_load_idx %arg14[%parallel_loop3A_339] : memref<16xf32, #tpu.memory_space<vmem>>[vector<16xi32>], vector<16xf32>,
        %parallel_loop3A_341 = arith.mulf %parallel_loop3A_340, %parallel_loop3A_323 : vector<16xf32>
        tpu.vector_store_idx %arg12[%parallel_loop3A_329, %parallel_loop3A_333, %add3A_15], %parallel_loop3A_341 : memref<16x26x64xf32, #tpu.memory_space<vmem>>[vector<16xi32>, vector<16xi32>, vector<16xi32>], vector<16xf32>,
        %parallel_loop3A_342 = arith.constant 0 : i32
        %parallel_loop3A_343 = vector.broadcast %parallel_loop3A_342 : i32 to vector<16xi32>
        %parallel_loop3A_344 = arith.shrsi %parallel_loop3A_322, %parallel_loop3A_343 : vector<16xi32>
        %parallel_loop3A_345 = arith.constant 15 : i32
        %parallel_loop3A_346 = vector.broadcast %parallel_loop3A_345 : i32 to vector<16xi32>
        %parallel_loop3A_347 = arith.andi %parallel_loop3A_344, %parallel_loop3A_346 : vector<16xi32>
        %parallel_loop3A_348 = tpu.vector_load_idx %arg14[%parallel_loop3A_347] : memref<16xf32, #tpu.memory_space<vmem>>[vector<16xi32>], vector<16xf32>,
        %parallel_loop3A_349 = arith.mulf %parallel_loop3A_348, %parallel_loop3A_323 : vector<16xf32>
        tpu.vector_store_idx %arg12[%parallel_loop3A_329, %parallel_loop3A_333, %add3A_24], %parallel_loop3A_349 : memref<16x26x64xf32, #tpu.memory_space<vmem>>[vector<16xi32>, vector<16xi32>, vector<16xi32>], vector<16xf32>,
        %parallel_loop3A_350 = arith.constant 12 : i32
        %parallel_loop3A_351 = vector.broadcast %parallel_loop3A_350 : i32 to vector<16xi32>
        %parallel_loop3A_352 = arith.shrsi %parallel_loop3A_322, %parallel_loop3A_351 : vector<16xi32>
        %parallel_loop3A_353 = arith.constant 15 : i32
        %parallel_loop3A_354 = vector.broadcast %parallel_loop3A_353 : i32 to vector<16xi32>
        %parallel_loop3A_355 = arith.andi %parallel_loop3A_352, %parallel_loop3A_354 : vector<16xi32>
        %parallel_loop3A_356 = tpu.vector_load_idx %arg14[%parallel_loop3A_355] : memref<16xf32, #tpu.memory_space<vmem>>[vector<16xi32>], vector<16xf32>,
        %parallel_loop3A_357 = arith.mulf %parallel_loop3A_356, %parallel_loop3A_323 : vector<16xf32>
        tpu.vector_store_idx %arg12[%parallel_loop3A_329, %parallel_loop3A_333, %add3A_33], %parallel_loop3A_357 : memref<16x26x64xf32, #tpu.memory_space<vmem>>[vector<16xi32>, vector<16xi32>, vector<16xi32>], vector<16xf32>,
        %parallel_loop3A_358 = arith.constant 8 : i32
        %parallel_loop3A_359 = vector.broadcast %parallel_loop3A_358 : i32 to vector<16xi32>
        %parallel_loop3A_360 = arith.shrsi %parallel_loop3A_322, %parallel_loop3A_359 : vector<16xi32>
        %parallel_loop3A_361 = arith.constant 15 : i32
        %parallel_loop3A_362 = vector.broadcast %parallel_loop3A_361 : i32 to vector<16xi32>
        %parallel_loop3A_363 = arith.andi %parallel_loop3A_360, %parallel_loop3A_362 : vector<16xi32>
        %parallel_loop3A_364 = tpu.vector_load_idx %arg14[%parallel_loop3A_363] : memref<16xf32, #tpu.memory_space<vmem>>[vector<16xi32>], vector<16xf32>,
        %parallel_loop3A_365 = arith.mulf %parallel_loop3A_364, %parallel_loop3A_323 : vector<16xf32>
        tpu.vector_store_idx %arg12[%parallel_loop3A_329, %parallel_loop3A_333, %add3A_42], %parallel_loop3A_365 : memref<16x26x64xf32, #tpu.memory_space<vmem>>[vector<16xi32>, vector<16xi32>, vector<16xi32>], vector<16xf32>,
        %parallel_loop3A_366 = arith.constant 20 : i32
        %parallel_loop3A_367 = vector.broadcast %parallel_loop3A_366 : i32 to vector<16xi32>
        %parallel_loop3A_368 = arith.shrsi %parallel_loop3A_322, %parallel_loop3A_367 : vector<16xi32>
        %parallel_loop3A_369 = arith.constant 15 : i32
        %parallel_loop3A_370 = vector.broadcast %parallel_loop3A_369 : i32 to vector<16xi32>
        %parallel_loop3A_371 = arith.andi %parallel_loop3A_368, %parallel_loop3A_370 : vector<16xi32>
        %parallel_loop3A_372 = tpu.vector_load_idx %arg14[%parallel_loop3A_371] : memref<16xf32, #tpu.memory_space<vmem>>[vector<16xi32>], vector<16xf32>,
        %parallel_loop3A_373 = arith.mulf %parallel_loop3A_372, %parallel_loop3A_323 : vector<16xf32>
        tpu.vector_store_idx %arg12[%parallel_loop3A_329, %parallel_loop3A_333, %add3A_51], %parallel_loop3A_373 : memref<16x26x64xf32, #tpu.memory_space<vmem>>[vector<16xi32>, vector<16xi32>, vector<16xi32>], vector<16xf32>,
        %parallel_loop3A_374 = arith.constant 16 : i32
        %parallel_loop3A_375 = vector.broadcast %parallel_loop3A_374 : i32 to vector<16xi32>
        %parallel_loop3A_376 = arith.shrsi %parallel_loop3A_322, %parallel_loop3A_375 : vector<16xi32>
        %parallel_loop3A_377 = arith.constant 15 : i32
        %parallel_loop3A_378 = vector.broadcast %parallel_loop3A_377 : i32 to vector<16xi32>
        %parallel_loop3A_379 = arith.andi %parallel_loop3A_376, %parallel_loop3A_378 : vector<16xi32>
        %parallel_loop3A_380 = tpu.vector_load_idx %arg14[%parallel_loop3A_379] : memref<16xf32, #tpu.memory_space<vmem>>[vector<16xi32>], vector<16xf32>,
        %parallel_loop3A_381 = arith.mulf %parallel_loop3A_380, %parallel_loop3A_323 : vector<16xf32>
        tpu.vector_store_idx %arg12[%parallel_loop3A_329, %parallel_loop3A_333, %add3A_60], %parallel_loop3A_381 : memref<16x26x64xf32, #tpu.memory_space<vmem>>[vector<16xi32>, vector<16xi32>, vector<16xi32>], vector<16xf32>,
        %parallel_loop3A_382 = arith.constant 28 : i32
        %parallel_loop3A_383 = vector.broadcast %parallel_loop3A_382 : i32 to vector<16xi32>
        %parallel_loop3A_384 = arith.shrsi %parallel_loop3A_322, %parallel_loop3A_383 : vector<16xi32>
        %parallel_loop3A_385 = arith.constant 15 : i32
        %parallel_loop3A_386 = vector.broadcast %parallel_loop3A_385 : i32 to vector<16xi32>
        %parallel_loop3A_387 = arith.andi %parallel_loop3A_384, %parallel_loop3A_386 : vector<16xi32>
        %parallel_loop3A_388 = tpu.vector_load_idx %arg14[%parallel_loop3A_387] : memref<16xf32, #tpu.memory_space<vmem>>[vector<16xi32>], vector<16xf32>,
        %parallel_loop3A_389 = arith.mulf %parallel_loop3A_388, %parallel_loop3A_323 : vector<16xf32>
        tpu.vector_store_idx %arg12[%parallel_loop3A_329, %parallel_loop3A_333, %add3A_69], %parallel_loop3A_389 : memref<16x26x64xf32, #tpu.memory_space<vmem>>[vector<16xi32>, vector<16xi32>, vector<16xi32>], vector<16xf32>,
        %parallel_loop3A_390 = arith.constant 24 : i32
        %parallel_loop3A_391 = vector.broadcast %parallel_loop3A_390 : i32 to vector<16xi32>
        %parallel_loop3A_392 = arith.shrsi %parallel_loop3A_322, %parallel_loop3A_391 : vector<16xi32>
        %parallel_loop3A_393 = arith.constant 15 : i32
        %parallel_loop3A_394 = vector.broadcast %parallel_loop3A_393 : i32 to vector<16xi32>
        %parallel_loop3A_395 = arith.andi %parallel_loop3A_392, %parallel_loop3A_394 : vector<16xi32>
        %parallel_loop3A_396 = tpu.vector_load_idx %arg14[%parallel_loop3A_395] : memref<16xf32, #tpu.memory_space<vmem>>[vector<16xi32>], vector<16xf32>,
        %parallel_loop3A_397 = arith.mulf %parallel_loop3A_396, %parallel_loop3A_323 : vector<16xf32>
        tpu.vector_store_idx %arg12[%parallel_loop3A_329, %parallel_loop3A_333, %add3A_78], %parallel_loop3A_397 : memref<16x26x64xf32, #tpu.memory_space<vmem>>[vector<16xi32>, vector<16xi32>, vector<16xi32>], vector<16xf32>,
      } {sc.loop_unroll_factor = 4 : i64, sc.parallel_access}
      %mul3A_260 = arith.constant 512 : i32
      %mul3A_261 = arith.muli %add3A, %mul3A_260 : i32
      %mul3A_262 = arith.constant 16 : i32
      %mul3A_263 = arith.muli %add3A_245, %mul3A_262 : i32
      %add3A_264 = arith.addi %mul3A_261, %mul3A_263 : i32
      %dma_start3A_265 = arith.constant 0 : i32
      %dma_start3A_266 = arith.constant 0 : i32
      %dma_start3A_267 = tpu.memref_slice %arg6[%add3A_264, %dma_start3A_265, %dma_start3A_266] : memref<16384x26x64xf32, #tpu.memory_space<hbm>> -> memref<16x26x64xf32, #tpu.memory_space<hbm>>
      %dma_start3A_268 = arith.constant 0 : i32
      %dma_start3A_269 = arith.constant 0 : i32
      %dma_start3A_270 = tpu.memref_slice %arg6[%add3A_264, %dma_start3A_268, %dma_start3A_269] : memref<16384x26x64xf32, #tpu.memory_space<hbm>> -> memref<16x26x64xf32, #tpu.memory_space<hbm>>
      tpu.enqueue_dma source(%arg12 : memref<16x26x64xf32, #tpu.memory_space<vmem>>) target(%dma_start3A_270 : memref<16x26x64xf32, #tpu.memory_space<hbm>>) target_semaphore(%arg17 : memref<!tpu.dma_semaphore, #tpu.memory_space<semaphore_mem>>)
      %add3A_271 = arith.constant 2 : i32
      %add3A_272 = arith.addi %add3A_245, %add3A_271 : i32
      %lt3A = arith.constant 32 : i32
      %lt3A_273 = arith.cmpi slt, %add3A_272, %lt3A : i32
      %convert_element_type3A_274 = arith.extui %lt3A_273 : i1 to i32
      %cond3A_275 = arith.constant 0 : i32
      %cond3A_276 = arith.cmpi ne, %convert_element_type3A_274, %cond3A_275 : i32
      scf.if %cond3A_276 {
        %add3A_317 = arith.constant 2 : i32
        %add3A_318 = arith.addi %add3A_245, %add3A_317 : i32
        %mul3A_319 = arith.constant 4 : i32
        %mul3A_320 = arith.muli %add3A_318, %mul3A_319 : i32
        %add3A_321 = arith.constant 0 : i32
        %add3A_322 = arith.addi %mul3A_320, %add3A_321 : i32
        %dma_start3A_323 = arith.constant 0 : i32
        %dma_start3A_324 = arith.constant 0 : i32
        %dma_start3A_325 = tpu.memref_slice %arg8[%dma_start3A_323, %dma_start3A_324] : memref<2048x8xi32, #tpu.memory_space<vmem>> -> memref<104x8xi32, #tpu.memory_space<vmem>>
        %dma_start3A_326 = arith.constant 0 : i32
        %dma_start3A_327 = tpu.memref_slice %arg7[%add3A_322, %dma_start3A_326] : memref<128x104xi32, #tpu.memory_space<vmem>> -> memref<1x104xi32, #tpu.memory_space<vmem>>
        %dma_start3A_328 = tpu.memref_squeeze %dma_start3A_327 : memref<1x104xi32, #tpu.memory_space<vmem>> -> memref<104xi32, #tpu.memory_space<vmem>>
        %dma_start3A_329 = arith.constant 0 : i32
        %dma_start3A_330 = arith.constant 0 : i32
        %dma_start3A_331 = tpu.memref_slice %arg3[%dma_start3A_329, %dma_start3A_330] : memref<1000000x8xi32, #tpu.memory_space<hbm>> -> memref<1000000x8xi32, #tpu.memory_space<hbm>>
        tpu.enqueue_indirect_dma source(%dma_start3A_331 : memref<1000000x8xi32, #tpu.memory_space<hbm>>) target(%dma_start3A_325 : memref<104x8xi32, #tpu.memory_space<vmem>>) offsets(%dma_start3A_328 : memref<104xi32, #tpu.memory_space<vmem>>) semaphore(%arg15 : memref<!tpu.dma_semaphore, #tpu.memory_space<semaphore_mem>>)
        %dma_start3A_332 = arith.constant 0 : i32
        %dma_start3A_333 = tpu.memref_slice %arg10[%dma_start3A_332] : memref<2048xf32, #tpu.memory_space<vmem>> -> memref<104xf32, #tpu.memory_space<vmem>>
        %dma_start3A_334 = arith.constant 0 : i32
        %dma_start3A_335 = tpu.memref_slice %arg7[%add3A_322, %dma_start3A_334] : memref<128x104xi32, #tpu.memory_space<vmem>> -> memref<1x104xi32, #tpu.memory_space<vmem>>
        %dma_start3A_336 = tpu.memref_squeeze %dma_start3A_335 : memref<1x104xi32, #tpu.memory_space<vmem>> -> memref<104xi32, #tpu.memory_space<vmem>>
        %dma_start3A_337 = arith.constant 0 : i32
        %dma_start3A_338 = tpu.memref_slice %arg4[%dma_start3A_337] : memref<1000000xf32, #tpu.memory_space<hbm>> -> memref<1000000xf32, #tpu.memory_space<hbm>>
        tpu.enqueue_indirect_dma source(%dma_start3A_338 : memref<1000000xf32, #tpu.memory_space<hbm>>) target(%dma_start3A_333 : memref<104xf32, #tpu.memory_space<vmem>>) offsets(%dma_start3A_336 : memref<104xi32, #tpu.memory_space<vmem>>) semaphore(%arg15 : memref<!tpu.dma_semaphore, #tpu.memory_space<semaphore_mem>>)
        %mul3A_339 = arith.constant 4 : i32
        %mul3A_340 = arith.muli %add3A_318, %mul3A_339 : i32
        %add3A_341 = arith.constant 1 : i32
        %add3A_342 = arith.addi %mul3A_340, %add3A_341 : i32
        %dma_start3A_343 = arith.constant 104 : i32
        %dma_start3A_344 = arith.constant 0 : i32
        %dma_start3A_345 = tpu.memref_slice %arg8[%dma_start3A_343, %dma_start3A_344] : memref<2048x8xi32, #tpu.memory_space<vmem>> -> memref<104x8xi32, #tpu.memory_space<vmem>>
        %dma_start3A_346 = arith.constant 0 : i32
        %dma_start3A_347 = tpu.memref_slice %arg7[%add3A_342, %dma_start3A_346] : memref<128x104xi32, #tpu.memory_space<vmem>> -> memref<1x104xi32, #tpu.memory_space<vmem>>
        %dma_start3A_348 = tpu.memref_squeeze %dma_start3A_347 : memref<1x104xi32, #tpu.memory_space<vmem>> -> memref<104xi32, #tpu.memory_space<vmem>>
        %dma_start3A_349 = arith.constant 0 : i32
        %dma_start3A_350 = arith.constant 0 : i32
        %dma_start3A_351 = tpu.memref_slice %arg3[%dma_start3A_349, %dma_start3A_350] : memref<1000000x8xi32, #tpu.memory_space<hbm>> -> memref<1000000x8xi32, #tpu.memory_space<hbm>>
        tpu.enqueue_indirect_dma source(%dma_start3A_351 : memref<1000000x8xi32, #tpu.memory_space<hbm>>) target(%dma_start3A_345 : memref<104x8xi32, #tpu.memory_space<vmem>>) offsets(%dma_start3A_348 : memref<104xi32, #tpu.memory_space<vmem>>) semaphore(%arg15 : memref<!tpu.dma_semaphore, #tpu.memory_space<semaphore_mem>>)
        %dma_start3A_352 = arith.constant 104 : i32
        %dma_start3A_353 = tpu.memref_slice %arg10[%dma_start3A_352] : memref<2048xf32, #tpu.memory_space<vmem>> -> memref<104xf32, #tpu.memory_space<vmem>>
        %dma_start3A_354 = arith.constant 0 : i32
        %dma_start3A_355 = tpu.memref_slice %arg7[%add3A_342, %dma_start3A_354] : memref<128x104xi32, #tpu.memory_space<vmem>> -> memref<1x104xi32, #tpu.memory_space<vmem>>
        %dma_start3A_356 = tpu.memref_squeeze %dma_start3A_355 : memref<1x104xi32, #tpu.memory_space<vmem>> -> memref<104xi32, #tpu.memory_space<vmem>>
        %dma_start3A_357 = arith.constant 0 : i32
        %dma_start3A_358 = tpu.memref_slice %arg4[%dma_start3A_357] : memref<1000000xf32, #tpu.memory_space<hbm>> -> memref<1000000xf32, #tpu.memory_space<hbm>>
        tpu.enqueue_indirect_dma source(%dma_start3A_358 : memref<1000000xf32, #tpu.memory_space<hbm>>) target(%dma_start3A_353 : memref<104xf32, #tpu.memory_space<vmem>>) offsets(%dma_start3A_356 : memref<104xi32, #tpu.memory_space<vmem>>) semaphore(%arg15 : memref<!tpu.dma_semaphore, #tpu.memory_space<semaphore_mem>>)
        %mul3A_359 = arith.constant 4 : i32
        %mul3A_360 = arith.muli %add3A_318, %mul3A_359 : i32
        %add3A_361 = arith.constant 2 : i32
        %add3A_362 = arith.addi %mul3A_360, %add3A_361 : i32
        %dma_start3A_363 = arith.constant 208 : i32
        %dma_start3A_364 = arith.constant 0 : i32
        %dma_start3A_365 = tpu.memref_slice %arg8[%dma_start3A_363, %dma_start3A_364] : memref<2048x8xi32, #tpu.memory_space<vmem>> -> memref<104x8xi32, #tpu.memory_space<vmem>>
        %dma_start3A_366 = arith.constant 0 : i32
        %dma_start3A_367 = tpu.memref_slice %arg7[%add3A_362, %dma_start3A_366] : memref<128x104xi32, #tpu.memory_space<vmem>> -> memref<1x104xi32, #tpu.memory_space<vmem>>
        %dma_start3A_368 = tpu.memref_squeeze %dma_start3A_367 : memref<1x104xi32, #tpu.memory_space<vmem>> -> memref<104xi32, #tpu.memory_space<vmem>>
        %dma_start3A_369 = arith.constant 0 : i32
        %dma_start3A_370 = arith.constant 0 : i32
        %dma_start3A_371 = tpu.memref_slice %arg3[%dma_start3A_369, %dma_start3A_370] : memref<1000000x8xi32, #tpu.memory_space<hbm>> -> memref<1000000x8xi32, #tpu.memory_space<hbm>>
        tpu.enqueue_indirect_dma source(%dma_start3A_371 : memref<1000000x8xi32, #tpu.memory_space<hbm>>) target(%dma_start3A_365 : memref<104x8xi32, #tpu.memory_space<vmem>>) offsets(%dma_start3A_368 : memref<104xi32, #tpu.memory_space<vmem>>) semaphore(%arg15 : memref<!tpu.dma_semaphore, #tpu.memory_space<semaphore_mem>>)
        %dma_start3A_372 = arith.constant 208 : i32
        %dma_start3A_373 = tpu.memref_slice %arg10[%dma_start3A_372] : memref<2048xf32, #tpu.memory_space<vmem>> -> memref<104xf32, #tpu.memory_space<vmem>>
        %dma_start3A_374 = arith.constant 0 : i32
        %dma_start3A_375 = tpu.memref_slice %arg7[%add3A_362, %dma_start3A_374] : memref<128x104xi32, #tpu.memory_space<vmem>> -> memref<1x104xi32, #tpu.memory_space<vmem>>
        %dma_start3A_376 = tpu.memref_squeeze %dma_start3A_375 : memref<1x104xi32, #tpu.memory_space<vmem>> -> memref<104xi32, #tpu.memory_space<vmem>>
        %dma_start3A_377 = arith.constant 0 : i32
        %dma_start3A_378 = tpu.memref_slice %arg4[%dma_start3A_377] : memref<1000000xf32, #tpu.memory_space<hbm>> -> memref<1000000xf32, #tpu.memory_space<hbm>>
        tpu.enqueue_indirect_dma source(%dma_start3A_378 : memref<1000000xf32, #tpu.memory_space<hbm>>) target(%dma_start3A_373 : memref<104xf32, #tpu.memory_space<vmem>>) offsets(%dma_start3A_376 : memref<104xi32, #tpu.memory_space<vmem>>) semaphore(%arg15 : memref<!tpu.dma_semaphore, #tpu.memory_space<semaphore_mem>>)
        %mul3A_379 = arith.constant 4 : i32
        %mul3A_380 = arith.muli %add3A_318, %mul3A_379 : i32
        %add3A_381 = arith.constant 3 : i32
        %add3A_382 = arith.addi %mul3A_380, %add3A_381 : i32
        %dma_start3A_383 = arith.constant 312 : i32
        %dma_start3A_384 = arith.constant 0 : i32
        %dma_start3A_385 = tpu.memref_slice %arg8[%dma_start3A_383, %dma_start3A_384] : memref<2048x8xi32, #tpu.memory_space<vmem>> -> memref<104x8xi32, #tpu.memory_space<vmem>>
        %dma_start3A_386 = arith.constant 0 : i32
        %dma_start3A_387 = tpu.memref_slice %arg7[%add3A_382, %dma_start3A_386] : memref<128x104xi32, #tpu.memory_space<vmem>> -> memref<1x104xi32, #tpu.memory_space<vmem>>
        %dma_start3A_388 = tpu.memref_squeeze %dma_start3A_387 : memref<1x104xi32, #tpu.memory_space<vmem>> -> memref<104xi32, #tpu.memory_space<vmem>>
        %dma_start3A_389 = arith.constant 0 : i32
        %dma_start3A_390 = arith.constant 0 : i32
        %dma_start3A_391 = tpu.memref_slice %arg3[%dma_start3A_389, %dma_start3A_390] : memref<1000000x8xi32, #tpu.memory_space<hbm>> -> memref<1000000x8xi32, #tpu.memory_space<hbm>>
        tpu.enqueue_indirect_dma source(%dma_start3A_391 : memref<1000000x8xi32, #tpu.memory_space<hbm>>) target(%dma_start3A_385 : memref<104x8xi32, #tpu.memory_space<vmem>>) offsets(%dma_start3A_388 : memref<104xi32, #tpu.memory_space<vmem>>) semaphore(%arg15 : memref<!tpu.dma_semaphore, #tpu.memory_space<semaphore_mem>>)
        %dma_start3A_392 = arith.constant 312 : i32
        %dma_start3A_393 = tpu.memref_slice %arg10[%dma_start3A_392] : memref<2048xf32, #tpu.memory_space<vmem>> -> memref<104xf32, #tpu.memory_space<vmem>>
        %dma_start3A_394 = arith.constant 0 : i32
        %dma_start3A_395 = tpu.memref_slice %arg7[%add3A_382, %dma_start3A_394] : memref<128x104xi32, #tpu.memory_space<vmem>> -> memref<1x104xi32, #tpu.memory_space<vmem>>
        %dma_start3A_396 = tpu.memref_squeeze %dma_start3A_395 : memref<1x104xi32, #tpu.memory_space<vmem>> -> memref<104xi32, #tpu.memory_space<vmem>>
        %dma_start3A_397 = arith.constant 0 : i32
        %dma_start3A_398 = tpu.memref_slice %arg4[%dma_start3A_397] : memref<1000000xf32, #tpu.memory_space<hbm>> -> memref<1000000xf32, #tpu.memory_space<hbm>>
        tpu.enqueue_indirect_dma source(%dma_start3A_398 : memref<1000000xf32, #tpu.memory_space<hbm>>) target(%dma_start3A_393 : memref<104xf32, #tpu.memory_space<vmem>>) offsets(%dma_start3A_396 : memref<104xi32, #tpu.memory_space<vmem>>) semaphore(%arg15 : memref<!tpu.dma_semaphore, #tpu.memory_space<semaphore_mem>>)
      } else {
      }
      %mul3A_277 = arith.constant 2 : i32
      %mul3A_278 = arith.muli %mul3A_277, %scan3A_241 : i32
      %add3A_279 = arith.constant 1 : i32
      %add3A_280 = arith.addi %mul3A_278, %add3A_279 : i32
      %dma_wait3A_281 = arith.constant 0 : i32
      %dma_wait3A_282 = arith.constant 0 : i32
      %dma_wait3A_283 = tpu.memref_slice %arg3[%dma_wait3A_281, %dma_wait3A_282] : memref<1000000x8xi32, #tpu.memory_space<hbm>> -> memref<2048x8xi32, #tpu.memory_space<hbm>>
      %dma_wait3A_284 = arith.constant 0 : i32
      %dma_wait3A_285 = arith.constant 0 : i32
      %dma_wait3A_286 = tpu.memref_slice %arg3[%dma_wait3A_284, %dma_wait3A_285] : memref<1000000x8xi32, #tpu.memory_space<hbm>> -> memref<2048x8xi32, #tpu.memory_space<hbm>>
      tpu.wait_dma2 semaphore(%arg16 : memref<!tpu.dma_semaphore, #tpu.memory_space<semaphore_mem>>) src(%dma_wait3A_286 : memref<2048x8xi32, #tpu.memory_space<hbm>>) dst(%arg9 : memref<2048x8xi32, #tpu.memory_space<vmem>>)
      %dma_wait3A_287 = arith.constant 0 : i32
      %dma_wait3A_288 = tpu.memref_slice %arg4[%dma_wait3A_287] : memref<1000000xf32, #tpu.memory_space<hbm>> -> memref<2048xf32, #tpu.memory_space<hbm>>
      %dma_wait3A_289 = arith.constant 0 : i32
      %dma_wait3A_290 = tpu.memref_slice %arg4[%dma_wait3A_289] : memref<1000000xf32, #tpu.memory_space<hbm>> -> memref<2048xf32, #tpu.memory_space<hbm>>
      tpu.wait_dma2 semaphore(%arg16 : memref<!tpu.dma_semaphore, #tpu.memory_space<semaphore_mem>>) src(%dma_wait3A_290 : memref<2048xf32, #tpu.memory_space<hbm>>) dst(%arg11 : memref<2048xf32, #tpu.memory_space<vmem>>)
      %ge3A_291 = arith.constant 2 : i32
      %ge3A_292 = arith.cmpi sge, %add3A_280, %ge3A_291 : i32
      %convert_element_type3A_293 = arith.extui %ge3A_292 : i1 to i32
      %cond3A_294 = arith.constant 0 : i32
      %cond3A_295 = arith.cmpi ne, %convert_element_type3A_293, %cond3A_294 : i32
      scf.if %cond3A_295 {
        %dma_wait3A_317 = arith.constant 0 : i32
        %dma_wait3A_318 = arith.constant 0 : i32
        %dma_wait3A_319 = arith.constant 0 : i32
        %dma_wait3A_320 = tpu.memref_slice %arg6[%dma_wait3A_317, %dma_wait3A_318, %dma_wait3A_319] : memref<16384x26x64xf32, #tpu.memory_space<hbm>> -> memref<16x26x64xf32, #tpu.memory_space<hbm>>
        %dma_wait3A_321 = arith.constant 0 : i32
        %dma_wait3A_322 = arith.constant 0 : i32
        %dma_wait3A_323 = arith.constant 0 : i32
        %dma_wait3A_324 = tpu.memref_slice %arg6[%dma_wait3A_321, %dma_wait3A_322, %dma_wait3A_323] : memref<16384x26x64xf32, #tpu.memory_space<hbm>> -> memref<16x26x64xf32, #tpu.memory_space<hbm>>
        tpu.wait_dma2 semaphore(%arg18 : memref<!tpu.dma_semaphore, #tpu.memory_space<semaphore_mem>>) src(%arg13 : memref<16x26x64xf32, #tpu.memory_space<vmem>>) dst(%dma_wait3A_324 : memref<16x26x64xf32, #tpu.memory_space<hbm>>)
      } else {
      }
      %parallel_loop3A_296 = arith.constant 0 : i32
      %parallel_loop3A_297 = arith.constant 208 : i32
      %parallel_loop3A_298 = arith.constant 1 : i32
      scf.for %parallel_loop3A_317 = %parallel_loop3A_296 to %parallel_loop3A_297 step %parallel_loop3A_298  : i32 {
        %parallel_loop3A_318 = arith.constant 2 : i32
        %parallel_loop3A_319 = arith.muli %parallel_loop3A_318, %parallel_loop3A_317 : i32
        %parallel_loop3A_320 = vector.broadcast %parallel_loop3A_319 : i32 to vector<16xi32>
        %parallel_loop3A_321 = arith.addi %parallel_loop3A_320, %shift_right_arithmetic3A_4 : vector<16xi32>
        %parallel_loop3A_322 = tpu.vector_load_idx %arg9[%parallel_loop3A_321, %and3A_6] : memref<2048x8xi32, #tpu.memory_space<vmem>>[vector<16xi32>, vector<16xi32>], vector<16xi32>,
        %parallel_loop3A_323 = tpu.vector_load_idx %arg11[%parallel_loop3A_321] : memref<2048xf32, #tpu.memory_space<vmem>>[vector<16xi32>], vector<16xf32>,
        %parallel_loop3A_324 = arith.constant 2521 : i32
        %parallel_loop3A_325 = vector.broadcast %parallel_loop3A_324 : i32 to vector<16xi32>
        %parallel_loop3A_326 = arith.muli %parallel_loop3A_321, %parallel_loop3A_325 : vector<16xi32>
        %parallel_loop3A_327 = arith.constant 16 : i32
        %parallel_loop3A_328 = vector.broadcast %parallel_loop3A_327 : i32 to vector<16xi32>
        %parallel_loop3A_329 = arith.shrsi %parallel_loop3A_326, %parallel_loop3A_328 : vector<16xi32>
        %parallel_loop3A_330 = arith.constant 26 : i32
        %parallel_loop3A_331 = vector.broadcast %parallel_loop3A_330 : i32 to vector<16xi32>
        %parallel_loop3A_332 = arith.muli %parallel_loop3A_329, %parallel_loop3A_331 : vector<16xi32>
        %parallel_loop3A_333 = arith.subi %parallel_loop3A_321, %parallel_loop3A_332 : vector<16xi32>
        %parallel_loop3A_334 = arith.constant 4 : i32
        %parallel_loop3A_335 = vector.broadcast %parallel_loop3A_334 : i32 to vector<16xi32>
        %parallel_loop3A_336 = arith.shrsi %parallel_loop3A_322, %parallel_loop3A_335 : vector<16xi32>
        %parallel_loop3A_337 = arith.constant 15 : i32
        %parallel_loop3A_338 = vector.broadcast %parallel_loop3A_337 : i32 to vector<16xi32>
        %parallel_loop3A_339 = arith.andi %parallel_loop3A_336, %parallel_loop3A_338 : vector<16xi32>
        %parallel_loop3A_340 = tpu.vector_load_idx %arg14[%parallel_loop3A_339] : memref<16xf32, #tpu.memory_space<vmem>>[vector<16xi32>], vector<16xf32>,
        %parallel_loop3A_341 = arith.mulf %parallel_loop3A_340, %parallel_loop3A_323 : vector<16xf32>
        tpu.vector_store_idx %arg13[%parallel_loop3A_329, %parallel_loop3A_333, %add3A_15], %parallel_loop3A_341 : memref<16x26x64xf32, #tpu.memory_space<vmem>>[vector<16xi32>, vector<16xi32>, vector<16xi32>], vector<16xf32>,
        %parallel_loop3A_342 = arith.constant 0 : i32
        %parallel_loop3A_343 = vector.broadcast %parallel_loop3A_342 : i32 to vector<16xi32>
        %parallel_loop3A_344 = arith.shrsi %parallel_loop3A_322, %parallel_loop3A_343 : vector<16xi32>
        %parallel_loop3A_345 = arith.constant 15 : i32
        %parallel_loop3A_346 = vector.broadcast %parallel_loop3A_345 : i32 to vector<16xi32>
        %parallel_loop3A_347 = arith.andi %parallel_loop3A_344, %parallel_loop3A_346 : vector<16xi32>
        %parallel_loop3A_348 = tpu.vector_load_idx %arg14[%parallel_loop3A_347] : memref<16xf32, #tpu.memory_space<vmem>>[vector<16xi32>], vector<16xf32>,
        %parallel_loop3A_349 = arith.mulf %parallel_loop3A_348, %parallel_loop3A_323 : vector<16xf32>
        tpu.vector_store_idx %arg13[%parallel_loop3A_329, %parallel_loop3A_333, %add3A_24], %parallel_loop3A_349 : memref<16x26x64xf32, #tpu.memory_space<vmem>>[vector<16xi32>, vector<16xi32>, vector<16xi32>], vector<16xf32>,
        %parallel_loop3A_350 = arith.constant 12 : i32
        %parallel_loop3A_351 = vector.broadcast %parallel_loop3A_350 : i32 to vector<16xi32>
        %parallel_loop3A_352 = arith.shrsi %parallel_loop3A_322, %parallel_loop3A_351 : vector<16xi32>
        %parallel_loop3A_353 = arith.constant 15 : i32
        %parallel_loop3A_354 = vector.broadcast %parallel_loop3A_353 : i32 to vector<16xi32>
        %parallel_loop3A_355 = arith.andi %parallel_loop3A_352, %parallel_loop3A_354 : vector<16xi32>
        %parallel_loop3A_356 = tpu.vector_load_idx %arg14[%parallel_loop3A_355] : memref<16xf32, #tpu.memory_space<vmem>>[vector<16xi32>], vector<16xf32>,
        %parallel_loop3A_357 = arith.mulf %parallel_loop3A_356, %parallel_loop3A_323 : vector<16xf32>
        tpu.vector_store_idx %arg13[%parallel_loop3A_329, %parallel_loop3A_333, %add3A_33], %parallel_loop3A_357 : memref<16x26x64xf32, #tpu.memory_space<vmem>>[vector<16xi32>, vector<16xi32>, vector<16xi32>], vector<16xf32>,
        %parallel_loop3A_358 = arith.constant 8 : i32
        %parallel_loop3A_359 = vector.broadcast %parallel_loop3A_358 : i32 to vector<16xi32>
        %parallel_loop3A_360 = arith.shrsi %parallel_loop3A_322, %parallel_loop3A_359 : vector<16xi32>
        %parallel_loop3A_361 = arith.constant 15 : i32
        %parallel_loop3A_362 = vector.broadcast %parallel_loop3A_361 : i32 to vector<16xi32>
        %parallel_loop3A_363 = arith.andi %parallel_loop3A_360, %parallel_loop3A_362 : vector<16xi32>
        %parallel_loop3A_364 = tpu.vector_load_idx %arg14[%parallel_loop3A_363] : memref<16xf32, #tpu.memory_space<vmem>>[vector<16xi32>], vector<16xf32>,
        %parallel_loop3A_365 = arith.mulf %parallel_loop3A_364, %parallel_loop3A_323 : vector<16xf32>
        tpu.vector_store_idx %arg13[%parallel_loop3A_329, %parallel_loop3A_333, %add3A_42], %parallel_loop3A_365 : memref<16x26x64xf32, #tpu.memory_space<vmem>>[vector<16xi32>, vector<16xi32>, vector<16xi32>], vector<16xf32>,
        %parallel_loop3A_366 = arith.constant 20 : i32
        %parallel_loop3A_367 = vector.broadcast %parallel_loop3A_366 : i32 to vector<16xi32>
        %parallel_loop3A_368 = arith.shrsi %parallel_loop3A_322, %parallel_loop3A_367 : vector<16xi32>
        %parallel_loop3A_369 = arith.constant 15 : i32
        %parallel_loop3A_370 = vector.broadcast %parallel_loop3A_369 : i32 to vector<16xi32>
        %parallel_loop3A_371 = arith.andi %parallel_loop3A_368, %parallel_loop3A_370 : vector<16xi32>
        %parallel_loop3A_372 = tpu.vector_load_idx %arg14[%parallel_loop3A_371] : memref<16xf32, #tpu.memory_space<vmem>>[vector<16xi32>], vector<16xf32>,
        %parallel_loop3A_373 = arith.mulf %parallel_loop3A_372, %parallel_loop3A_323 : vector<16xf32>
        tpu.vector_store_idx %arg13[%parallel_loop3A_329, %parallel_loop3A_333, %add3A_51], %parallel_loop3A_373 : memref<16x26x64xf32, #tpu.memory_space<vmem>>[vector<16xi32>, vector<16xi32>, vector<16xi32>], vector<16xf32>,
        %parallel_loop3A_374 = arith.constant 16 : i32
        %parallel_loop3A_375 = vector.broadcast %parallel_loop3A_374 : i32 to vector<16xi32>
        %parallel_loop3A_376 = arith.shrsi %parallel_loop3A_322, %parallel_loop3A_375 : vector<16xi32>
        %parallel_loop3A_377 = arith.constant 15 : i32
        %parallel_loop3A_378 = vector.broadcast %parallel_loop3A_377 : i32 to vector<16xi32>
        %parallel_loop3A_379 = arith.andi %parallel_loop3A_376, %parallel_loop3A_378 : vector<16xi32>
        %parallel_loop3A_380 = tpu.vector_load_idx %arg14[%parallel_loop3A_379] : memref<16xf32, #tpu.memory_space<vmem>>[vector<16xi32>], vector<16xf32>,
        %parallel_loop3A_381 = arith.mulf %parallel_loop3A_380, %parallel_loop3A_323 : vector<16xf32>
        tpu.vector_store_idx %arg13[%parallel_loop3A_329, %parallel_loop3A_333, %add3A_60], %parallel_loop3A_381 : memref<16x26x64xf32, #tpu.memory_space<vmem>>[vector<16xi32>, vector<16xi32>, vector<16xi32>], vector<16xf32>,
        %parallel_loop3A_382 = arith.constant 28 : i32
        %parallel_loop3A_383 = vector.broadcast %parallel_loop3A_382 : i32 to vector<16xi32>
        %parallel_loop3A_384 = arith.shrsi %parallel_loop3A_322, %parallel_loop3A_383 : vector<16xi32>
        %parallel_loop3A_385 = arith.constant 15 : i32
        %parallel_loop3A_386 = vector.broadcast %parallel_loop3A_385 : i32 to vector<16xi32>
        %parallel_loop3A_387 = arith.andi %parallel_loop3A_384, %parallel_loop3A_386 : vector<16xi32>
        %parallel_loop3A_388 = tpu.vector_load_idx %arg14[%parallel_loop3A_387] : memref<16xf32, #tpu.memory_space<vmem>>[vector<16xi32>], vector<16xf32>,
        %parallel_loop3A_389 = arith.mulf %parallel_loop3A_388, %parallel_loop3A_323 : vector<16xf32>
        tpu.vector_store_idx %arg13[%parallel_loop3A_329, %parallel_loop3A_333, %add3A_69], %parallel_loop3A_389 : memref<16x26x64xf32, #tpu.memory_space<vmem>>[vector<16xi32>, vector<16xi32>, vector<16xi32>], vector<16xf32>,
        %parallel_loop3A_390 = arith.constant 24 : i32
        %parallel_loop3A_391 = vector.broadcast %parallel_loop3A_390 : i32 to vector<16xi32>
        %parallel_loop3A_392 = arith.shrsi %parallel_loop3A_322, %parallel_loop3A_391 : vector<16xi32>
        %parallel_loop3A_393 = arith.constant 15 : i32
        %parallel_loop3A_394 = vector.broadcast %parallel_loop3A_393 : i32 to vector<16xi32>
        %parallel_loop3A_395 = arith.andi %parallel_loop3A_392, %parallel_loop3A_394 : vector<16xi32>
        %parallel_loop3A_396 = tpu.vector_load_idx %arg14[%parallel_loop3A_395] : memref<16xf32, #tpu.memory_space<vmem>>[vector<16xi32>], vector<16xf32>,
        %parallel_loop3A_397 = arith.mulf %parallel_loop3A_396, %parallel_loop3A_323 : vector<16xf32>
        tpu.vector_store_idx %arg13[%parallel_loop3A_329, %parallel_loop3A_333, %add3A_78], %parallel_loop3A_397 : memref<16x26x64xf32, #tpu.memory_space<vmem>>[vector<16xi32>, vector<16xi32>, vector<16xi32>], vector<16xf32>,
      } {sc.loop_unroll_factor = 4 : i64, sc.parallel_access}
      %mul3A_299 = arith.constant 512 : i32
      %mul3A_300 = arith.muli %add3A, %mul3A_299 : i32
      %mul3A_301 = arith.constant 16 : i32
      %mul3A_302 = arith.muli %add3A_280, %mul3A_301 : i32
      %add3A_303 = arith.addi %mul3A_300, %mul3A_302 : i32
      %dma_start3A_304 = arith.constant 0 : i32
      %dma_start3A_305 = arith.constant 0 : i32
      %dma_start3A_306 = tpu.memref_slice %arg6[%add3A_303, %dma_start3A_304, %dma_start3A_305] : memref<16384x26x64xf32, #tpu.memory_space<hbm>> -> memref<16x26x64xf32, #tpu.memory_space<hbm>>
      %dma_start3A_307 = arith.constant 0 : i32
      %dma_start3A_308 = arith.constant 0 : i32
      %dma_start3A_309 = tpu.memref_slice %arg6[%add3A_303, %dma_start3A_307, %dma_start3A_308] : memref<16384x26x64xf32, #tpu.memory_space<hbm>> -> memref<16x26x64xf32, #tpu.memory_space<hbm>>
      tpu.enqueue_dma source(%arg13 : memref<16x26x64xf32, #tpu.memory_space<vmem>>) target(%dma_start3A_309 : memref<16x26x64xf32, #tpu.memory_space<hbm>>) target_semaphore(%arg18 : memref<!tpu.dma_semaphore, #tpu.memory_space<semaphore_mem>>)
      %add3A_310 = arith.constant 2 : i32
      %add3A_311 = arith.addi %add3A_280, %add3A_310 : i32
      %lt3A_312 = arith.constant 32 : i32
      %lt3A_313 = arith.cmpi slt, %add3A_311, %lt3A_312 : i32
      %convert_element_type3A_314 = arith.extui %lt3A_313 : i1 to i32
      %cond3A_315 = arith.constant 0 : i32
      %cond3A_316 = arith.cmpi ne, %convert_element_type3A_314, %cond3A_315 : i32
      scf.if %cond3A_316 {
        %add3A_317 = arith.constant 2 : i32
        %add3A_318 = arith.addi %add3A_280, %add3A_317 : i32
        %mul3A_319 = arith.constant 4 : i32
        %mul3A_320 = arith.muli %add3A_318, %mul3A_319 : i32
        %add3A_321 = arith.constant 0 : i32
        %add3A_322 = arith.addi %mul3A_320, %add3A_321 : i32
        %dma_start3A_323 = arith.constant 0 : i32
        %dma_start3A_324 = arith.constant 0 : i32
        %dma_start3A_325 = tpu.memref_slice %arg9[%dma_start3A_323, %dma_start3A_324] : memref<2048x8xi32, #tpu.memory_space<vmem>> -> memref<104x8xi32, #tpu.memory_space<vmem>>
        %dma_start3A_326 = arith.constant 0 : i32
        %dma_start3A_327 = tpu.memref_slice %arg7[%add3A_322, %dma_start3A_326] : memref<128x104xi32, #tpu.memory_space<vmem>> -> memref<1x104xi32, #tpu.memory_space<vmem>>
        %dma_start3A_328 = tpu.memref_squeeze %dma_start3A_327 : memref<1x104xi32, #tpu.memory_space<vmem>> -> memref<104xi32, #tpu.memory_space<vmem>>
        %dma_start3A_329 = arith.constant 0 : i32
        %dma_start3A_330 = arith.constant 0 : i32
        %dma_start3A_331 = tpu.memref_slice %arg3[%dma_start3A_329, %dma_start3A_330] : memref<1000000x8xi32, #tpu.memory_space<hbm>> -> memref<1000000x8xi32, #tpu.memory_space<hbm>>
        tpu.enqueue_indirect_dma source(%dma_start3A_331 : memref<1000000x8xi32, #tpu.memory_space<hbm>>) target(%dma_start3A_325 : memref<104x8xi32, #tpu.memory_space<vmem>>) offsets(%dma_start3A_328 : memref<104xi32, #tpu.memory_space<vmem>>) semaphore(%arg16 : memref<!tpu.dma_semaphore, #tpu.memory_space<semaphore_mem>>)
        %dma_start3A_332 = arith.constant 0 : i32
        %dma_start3A_333 = tpu.memref_slice %arg11[%dma_start3A_332] : memref<2048xf32, #tpu.memory_space<vmem>> -> memref<104xf32, #tpu.memory_space<vmem>>
        %dma_start3A_334 = arith.constant 0 : i32
        %dma_start3A_335 = tpu.memref_slice %arg7[%add3A_322, %dma_start3A_334] : memref<128x104xi32, #tpu.memory_space<vmem>> -> memref<1x104xi32, #tpu.memory_space<vmem>>
        %dma_start3A_336 = tpu.memref_squeeze %dma_start3A_335 : memref<1x104xi32, #tpu.memory_space<vmem>> -> memref<104xi32, #tpu.memory_space<vmem>>
        %dma_start3A_337 = arith.constant 0 : i32
        %dma_start3A_338 = tpu.memref_slice %arg4[%dma_start3A_337] : memref<1000000xf32, #tpu.memory_space<hbm>> -> memref<1000000xf32, #tpu.memory_space<hbm>>
        tpu.enqueue_indirect_dma source(%dma_start3A_338 : memref<1000000xf32, #tpu.memory_space<hbm>>) target(%dma_start3A_333 : memref<104xf32, #tpu.memory_space<vmem>>) offsets(%dma_start3A_336 : memref<104xi32, #tpu.memory_space<vmem>>) semaphore(%arg16 : memref<!tpu.dma_semaphore, #tpu.memory_space<semaphore_mem>>)
        %mul3A_339 = arith.constant 4 : i32
        %mul3A_340 = arith.muli %add3A_318, %mul3A_339 : i32
        %add3A_341 = arith.constant 1 : i32
        %add3A_342 = arith.addi %mul3A_340, %add3A_341 : i32
        %dma_start3A_343 = arith.constant 104 : i32
        %dma_start3A_344 = arith.constant 0 : i32
        %dma_start3A_345 = tpu.memref_slice %arg9[%dma_start3A_343, %dma_start3A_344] : memref<2048x8xi32, #tpu.memory_space<vmem>> -> memref<104x8xi32, #tpu.memory_space<vmem>>
        %dma_start3A_346 = arith.constant 0 : i32
        %dma_start3A_347 = tpu.memref_slice %arg7[%add3A_342, %dma_start3A_346] : memref<128x104xi32, #tpu.memory_space<vmem>> -> memref<1x104xi32, #tpu.memory_space<vmem>>
        %dma_start3A_348 = tpu.memref_squeeze %dma_start3A_347 : memref<1x104xi32, #tpu.memory_space<vmem>> -> memref<104xi32, #tpu.memory_space<vmem>>
        %dma_start3A_349 = arith.constant 0 : i32
        %dma_start3A_350 = arith.constant 0 : i32
        %dma_start3A_351 = tpu.memref_slice %arg3[%dma_start3A_349, %dma_start3A_350] : memref<1000000x8xi32, #tpu.memory_space<hbm>> -> memref<1000000x8xi32, #tpu.memory_space<hbm>>
        tpu.enqueue_indirect_dma source(%dma_start3A_351 : memref<1000000x8xi32, #tpu.memory_space<hbm>>) target(%dma_start3A_345 : memref<104x8xi32, #tpu.memory_space<vmem>>) offsets(%dma_start3A_348 : memref<104xi32, #tpu.memory_space<vmem>>) semaphore(%arg16 : memref<!tpu.dma_semaphore, #tpu.memory_space<semaphore_mem>>)
        %dma_start3A_352 = arith.constant 104 : i32
        %dma_start3A_353 = tpu.memref_slice %arg11[%dma_start3A_352] : memref<2048xf32, #tpu.memory_space<vmem>> -> memref<104xf32, #tpu.memory_space<vmem>>
        %dma_start3A_354 = arith.constant 0 : i32
        %dma_start3A_355 = tpu.memref_slice %arg7[%add3A_342, %dma_start3A_354] : memref<128x104xi32, #tpu.memory_space<vmem>> -> memref<1x104xi32, #tpu.memory_space<vmem>>
        %dma_start3A_356 = tpu.memref_squeeze %dma_start3A_355 : memref<1x104xi32, #tpu.memory_space<vmem>> -> memref<104xi32, #tpu.memory_space<vmem>>
        %dma_start3A_357 = arith.constant 0 : i32
        %dma_start3A_358 = tpu.memref_slice %arg4[%dma_start3A_357] : memref<1000000xf32, #tpu.memory_space<hbm>> -> memref<1000000xf32, #tpu.memory_space<hbm>>
        tpu.enqueue_indirect_dma source(%dma_start3A_358 : memref<1000000xf32, #tpu.memory_space<hbm>>) target(%dma_start3A_353 : memref<104xf32, #tpu.memory_space<vmem>>) offsets(%dma_start3A_356 : memref<104xi32, #tpu.memory_space<vmem>>) semaphore(%arg16 : memref<!tpu.dma_semaphore, #tpu.memory_space<semaphore_mem>>)
        %mul3A_359 = arith.constant 4 : i32
        %mul3A_360 = arith.muli %add3A_318, %mul3A_359 : i32
        %add3A_361 = arith.constant 2 : i32
        %add3A_362 = arith.addi %mul3A_360, %add3A_361 : i32
        %dma_start3A_363 = arith.constant 208 : i32
        %dma_start3A_364 = arith.constant 0 : i32
        %dma_start3A_365 = tpu.memref_slice %arg9[%dma_start3A_363, %dma_start3A_364] : memref<2048x8xi32, #tpu.memory_space<vmem>> -> memref<104x8xi32, #tpu.memory_space<vmem>>
        %dma_start3A_366 = arith.constant 0 : i32
        %dma_start3A_367 = tpu.memref_slice %arg7[%add3A_362, %dma_start3A_366] : memref<128x104xi32, #tpu.memory_space<vmem>> -> memref<1x104xi32, #tpu.memory_space<vmem>>
        %dma_start3A_368 = tpu.memref_squeeze %dma_start3A_367 : memref<1x104xi32, #tpu.memory_space<vmem>> -> memref<104xi32, #tpu.memory_space<vmem>>
        %dma_start3A_369 = arith.constant 0 : i32
        %dma_start3A_370 = arith.constant 0 : i32
        %dma_start3A_371 = tpu.memref_slice %arg3[%dma_start3A_369, %dma_start3A_370] : memref<1000000x8xi32, #tpu.memory_space<hbm>> -> memref<1000000x8xi32, #tpu.memory_space<hbm>>
        tpu.enqueue_indirect_dma source(%dma_start3A_371 : memref<1000000x8xi32, #tpu.memory_space<hbm>>) target(%dma_start3A_365 : memref<104x8xi32, #tpu.memory_space<vmem>>) offsets(%dma_start3A_368 : memref<104xi32, #tpu.memory_space<vmem>>) semaphore(%arg16 : memref<!tpu.dma_semaphore, #tpu.memory_space<semaphore_mem>>)
        %dma_start3A_372 = arith.constant 208 : i32
        %dma_start3A_373 = tpu.memref_slice %arg11[%dma_start3A_372] : memref<2048xf32, #tpu.memory_space<vmem>> -> memref<104xf32, #tpu.memory_space<vmem>>
        %dma_start3A_374 = arith.constant 0 : i32
        %dma_start3A_375 = tpu.memref_slice %arg7[%add3A_362, %dma_start3A_374] : memref<128x104xi32, #tpu.memory_space<vmem>> -> memref<1x104xi32, #tpu.memory_space<vmem>>
        %dma_start3A_376 = tpu.memref_squeeze %dma_start3A_375 : memref<1x104xi32, #tpu.memory_space<vmem>> -> memref<104xi32, #tpu.memory_space<vmem>>
        %dma_start3A_377 = arith.constant 0 : i32
        %dma_start3A_378 = tpu.memref_slice %arg4[%dma_start3A_377] : memref<1000000xf32, #tpu.memory_space<hbm>> -> memref<1000000xf32, #tpu.memory_space<hbm>>
        tpu.enqueue_indirect_dma source(%dma_start3A_378 : memref<1000000xf32, #tpu.memory_space<hbm>>) target(%dma_start3A_373 : memref<104xf32, #tpu.memory_space<vmem>>) offsets(%dma_start3A_376 : memref<104xi32, #tpu.memory_space<vmem>>) semaphore(%arg16 : memref<!tpu.dma_semaphore, #tpu.memory_space<semaphore_mem>>)
        %mul3A_379 = arith.constant 4 : i32
        %mul3A_380 = arith.muli %add3A_318, %mul3A_379 : i32
        %add3A_381 = arith.constant 3 : i32
        %add3A_382 = arith.addi %mul3A_380, %add3A_381 : i32
        %dma_start3A_383 = arith.constant 312 : i32
        %dma_start3A_384 = arith.constant 0 : i32
        %dma_start3A_385 = tpu.memref_slice %arg9[%dma_start3A_383, %dma_start3A_384] : memref<2048x8xi32, #tpu.memory_space<vmem>> -> memref<104x8xi32, #tpu.memory_space<vmem>>
        %dma_start3A_386 = arith.constant 0 : i32
        %dma_start3A_387 = tpu.memref_slice %arg7[%add3A_382, %dma_start3A_386] : memref<128x104xi32, #tpu.memory_space<vmem>> -> memref<1x104xi32, #tpu.memory_space<vmem>>
        %dma_start3A_388 = tpu.memref_squeeze %dma_start3A_387 : memref<1x104xi32, #tpu.memory_space<vmem>> -> memref<104xi32, #tpu.memory_space<vmem>>
        %dma_start3A_389 = arith.constant 0 : i32
        %dma_start3A_390 = arith.constant 0 : i32
        %dma_start3A_391 = tpu.memref_slice %arg3[%dma_start3A_389, %dma_start3A_390] : memref<1000000x8xi32, #tpu.memory_space<hbm>> -> memref<1000000x8xi32, #tpu.memory_space<hbm>>
        tpu.enqueue_indirect_dma source(%dma_start3A_391 : memref<1000000x8xi32, #tpu.memory_space<hbm>>) target(%dma_start3A_385 : memref<104x8xi32, #tpu.memory_space<vmem>>) offsets(%dma_start3A_388 : memref<104xi32, #tpu.memory_space<vmem>>) semaphore(%arg16 : memref<!tpu.dma_semaphore, #tpu.memory_space<semaphore_mem>>)
        %dma_start3A_392 = arith.constant 312 : i32
        %dma_start3A_393 = tpu.memref_slice %arg11[%dma_start3A_392] : memref<2048xf32, #tpu.memory_space<vmem>> -> memref<104xf32, #tpu.memory_space<vmem>>
        %dma_start3A_394 = arith.constant 0 : i32
        %dma_start3A_395 = tpu.memref_slice %arg7[%add3A_382, %dma_start3A_394] : memref<128x104xi32, #tpu.memory_space<vmem>> -> memref<1x104xi32, #tpu.memory_space<vmem>>
        %dma_start3A_396 = tpu.memref_squeeze %dma_start3A_395 : memref<1x104xi32, #tpu.memory_space<vmem>> -> memref<104xi32, #tpu.memory_space<vmem>>
        %dma_start3A_397 = arith.constant 0 : i32
        %dma_start3A_398 = tpu.memref_slice %arg4[%dma_start3A_397] : memref<1000000xf32, #tpu.memory_space<hbm>> -> memref<1000000xf32, #tpu.memory_space<hbm>>
        tpu.enqueue_indirect_dma source(%dma_start3A_398 : memref<1000000xf32, #tpu.memory_space<hbm>>) target(%dma_start3A_393 : memref<104xf32, #tpu.memory_space<vmem>>) offsets(%dma_start3A_396 : memref<104xi32, #tpu.memory_space<vmem>>) semaphore(%arg16 : memref<!tpu.dma_semaphore, #tpu.memory_space<semaphore_mem>>)
      } else {
      }
    }
    %scan3A_225 = arith.constant 16 : i32
    %dma_wait3A = arith.constant 0 : i32
    %dma_wait3A_226 = arith.constant 0 : i32
    %dma_wait3A_227 = arith.constant 0 : i32
    %dma_wait3A_228 = tpu.memref_slice %arg6[%dma_wait3A, %dma_wait3A_226, %dma_wait3A_227] : memref<16384x26x64xf32, #tpu.memory_space<hbm>> -> memref<16x26x64xf32, #tpu.memory_space<hbm>>
    %dma_wait3A_229 = arith.constant 0 : i32
    %dma_wait3A_230 = arith.constant 0 : i32
    %dma_wait3A_231 = arith.constant 0 : i32
    %dma_wait3A_232 = tpu.memref_slice %arg6[%dma_wait3A_229, %dma_wait3A_230, %dma_wait3A_231] : memref<16384x26x64xf32, #tpu.memory_space<hbm>> -> memref<16x26x64xf32, #tpu.memory_space<hbm>>
    tpu.wait_dma2 semaphore(%arg17 : memref<!tpu.dma_semaphore, #tpu.memory_space<semaphore_mem>>) src(%arg12 : memref<16x26x64xf32, #tpu.memory_space<vmem>>) dst(%dma_wait3A_232 : memref<16x26x64xf32, #tpu.memory_space<hbm>>)
    %dma_wait3A_233 = arith.constant 0 : i32
    %dma_wait3A_234 = arith.constant 0 : i32
    %dma_wait3A_235 = arith.constant 0 : i32
    %dma_wait3A_236 = tpu.memref_slice %arg6[%dma_wait3A_233, %dma_wait3A_234, %dma_wait3A_235] : memref<16384x26x64xf32, #tpu.memory_space<hbm>> -> memref<16x26x64xf32, #tpu.memory_space<hbm>>
    %dma_wait3A_237 = arith.constant 0 : i32
    %dma_wait3A_238 = arith.constant 0 : i32
    %dma_wait3A_239 = arith.constant 0 : i32
    %dma_wait3A_240 = tpu.memref_slice %arg6[%dma_wait3A_237, %dma_wait3A_238, %dma_wait3A_239] : memref<16384x26x64xf32, #tpu.memory_space<hbm>> -> memref<16x26x64xf32, #tpu.memory_space<hbm>>
    tpu.wait_dma2 semaphore(%arg18 : memref<!tpu.dma_semaphore, #tpu.memory_space<semaphore_mem>>) src(%arg13 : memref<16x26x64xf32, #tpu.memory_space<vmem>>) dst(%dma_wait3A_240 : memref<16x26x64xf32, #tpu.memory_space<hbm>>)
    return
  }
}

</mosaic_0001>

<sc_bundles>
// kernel: kernel.3.cloned.1.call-start
scs
__scs_entry_jumppad:
0x0: {  	(pc) =	sbr.rel $0x88, $3  }
0x1: {  	(tag) =	ssettag $0x0;
	lr =	simm.s32 $0x1  }
0x2: {  	[smem:$0x3F9D] =	sst lr;
	_ =	strace $0xD0000000  }
0x3: {  	_ = 	snop  }
0x4: {  	_ = 	snop  }
0x5: {  	_ = 	snop  }
0x6: {  	_ = 	snop  }
0x7: {  	_ = 	snop  }
__scs_overlays_trampoline_lowered:
0x8: {  	[smem:$0x3FAC] =	sst s0  }
0x9: {  	[smem:$0x3FAD] =	sst s1  }
0xa: {  	[smem:$0x3FAE] =	sst s2  }
0xb: {  	[smem:$0x3FAF] =	sst s3  }
0xc: {  	[smem:$0x3FB0] =	sst s4  }
0xd: {  	[smem:$0x3FB1] =	sst s5  }
0xe: {  	[smem:$0x3FB2] =	sst s6  }
0xf: {  	[smem:$0x3FB3] =	sst s7  }
0x10: {  	[smem:$0x3FB4] =	sst s8  }
0x11: {  	[smem:$0x3FB5] =	sst s9;
	s0 =	simm.s32 @!p0 $0x0  }
0x12: {  	s1 =	sld [smem:$0x3F9B];
	s0 =	simm.s32 @p0 $0x1  }
0x13: {  	[smem:$0x3FB6] =	sst s0;
	s0 =	simm.s32 @!p1 $0x0  }
0x14: {  	s2 =	sld [smem:$0x3F9A];
	s0 =	simm.s32 @p1 $0x1  }
0x15: {  	[smem:$0x3FB7] =	sst s0;
	s0 =	simm.s32 @!p2 $0x0  }
0x16: {  	s3 =	sld [smem:$0x3FDB];
	s0 =	simm.s32 @p2 $0x1  }
0x17: {  	s4 =	simm.s32 $0x1BF5;
	[smem:$0x3FB9] =	sst s0  }
0x18: {  	s0 =	sld [smem:$0x3F9C];
	_ =	swait.ge [sflag:s4], $0x0  }
0x19: {  	s7 =	sld [smem:$0x3F9D]  }
0x1a: {  	s8 =	sadd.s32 $0xFFFFE003, lr  }
0x1b: {  	s9 =	sadd.s32 $0xFFFFFEF7, lr;
	s5 =	simm.s32 $0xFFFFFFFF;
	p2 =	slt.u32 s8, $0xFFFFF086  }
0x1c: {  	p1 =	slt.u32 s9, $0xF7A;
	s5 =	simm.s32 @!p2 $0x0  }
0x1d: {  	s5 =	simm.s32 @p1 $0x1;
	p0 =	seq.s32 s7, s2  }
0x1e: {  	s7 =	smul.u32 @!p0 $0xF7A, s2;
	p2 =	seq.s32 @!p0 s5, $0x0  }
0x1f: {  	s9 =	smul.u32 $0xF7A, s1;
	s8 =	simm.s32 @!p0 $0x1BF5;
	p2 =	por !p2, p0  }
0x20: {  	[sflag:s8] =	ssyncset.s32 @!p0 $0xFFFFF086;
	s6 =	sadd.s32 @!p0 s3, s7;
	s7 =	simm.s32 @!p0 $0x108  }
0x21: {  	s3 =	sadd.s32 s3, s9;
	s6 =	sadd.s32 @!p0 $0x88, s6;
	s7 =	simm.s32 @p2 $0x1082  }
0x22: {  	[simem:s7], [sflag:s8] =	dma.local @!p0 [hbm:s6], $0xF7A  }
0x23: {  	s9 =	sor.u32 $0xD0000000, s2;
	s6 =	simm.s32 $0x108;
	_ =	swait.ge @!p0 [sflag:s8], $0x0  }
0x24: {  	s3 =	sadd.s32 $0x88, s3;
	s6 =	simm.s32 @!p1 $0x1082;
	[sflag:s4] =	ssyncset.s32 $0xFFFFF086  }
0x25: {  	[simem:s6], [sflag:s4] =	dma.local [hbm:s3], $0xF7A  }
0x26: {  	[smem:$0x3F9D] =	sst s1;
	(tag) =	ssettag s2;
	_ =	strace s9  }
0x27: {  	s1 =	sld [smem:$0x3FAD]  }
0x28: {  	s2 =	sld [smem:$0x3FAE]  }
0x29: {  	s4 =	sld [smem:$0x3FB0]  }
0x2a: {  	p0 =	seq.s32 s5, $0x0;
	s5 =	sld [smem:$0x3FB1]  }
0x2b: {  	s6 =	sld [smem:$0x3FB2]  }
0x2c: {  	s7 =	sld [smem:$0x3FB3]  }
0x2d: {  	s3 =	simm.s32 $0x108;
	s8 =	sld [smem:$0x3FB4]  }
0x2e: {  	s3 =	simm.s32 @!p0 $0x1082;
	s9 =	sld [smem:$0x3FB5]  }
0x2f: {  	lr =	sadd.s32 s0, s3;
	s0 =	sld [smem:$0x3FAC]  }
0x30: {  	s3 =	sld [smem:$0x3FAF]  }
0x31: {  	[smem:$0x3FB8] =	sst s10  }
0x32: {  	s10 =	sld [smem:$0x3FB6];
	_ =	sdelay $0x3  }
0x33: {  	p0 =	seq.s32 s10, $0x1;
	s10 =	sld [smem:$0x3FB8];
	_ =	sdelay $0x3  }
0x34: {  	[smem:$0x3FB8] =	sst s10  }
0x35: {  	s10 =	sld [smem:$0x3FB7];
	_ =	sdelay $0x3  }
0x36: {  	p1 =	seq.s32 s10, $0x1;
	s10 =	sld [smem:$0x3FB8];
	_ =	sdelay $0x3  }
0x37: {  	[smem:$0x3FB8] =	sst s10  }
0x38: {  	s10 =	sld [smem:$0x3FB9]  }
0x39: {  	_ = 	snop;
	(pc) =	sbr.ind lr, $3  }
0x3a: {  	_ = 	snop  }
0x3b: {  	_ = 	snop  }
0x3c: {  	p2 =	seq.s32 s10, $0x1;
	s10 =	sld [smem:$0x3FB8]  }
0x3d: {  	_ =	shalt  }
0x3e: {  	_ =	shalt  }
0x3f: {  	_ =	shalt  }
0x40: {  	_ =	shalt  }
0x41: {  	_ =	shalt  }
0x42: {  	_ =	shalt  }
0x43: {  	_ =	shalt  }
0x44: {  	_ =	shalt  }
0x45: {  	_ =	shalt  }
0x46: {  	_ =	shalt  }
0x47: {  	_ =	shalt  }
0x48: {  	_ =	shalt  }
0x49: {  	_ =	shalt  }
0x4a: {  	_ =	shalt  }
0x4b: {  	_ =	shalt  }
0x4c: {  	_ =	shalt  }
0x4d: {  	_ =	shalt  }
0x4e: {  	_ =	shalt  }
0x4f: {  	_ =	shalt  }
0x50: {  	_ =	shalt  }
0x51: {  	_ =	shalt  }
0x52: {  	_ =	shalt  }
0x53: {  	_ =	shalt  }
0x54: {  	_ =	shalt  }
0x55: {  	_ =	shalt  }
0x56: {  	_ =	shalt  }
0x57: {  	_ =	shalt  }
0x58: {  	_ =	shalt  }
0x59: {  	_ =	shalt  }
0x5a: {  	_ =	shalt  }
0x5b: {  	_ =	shalt  }
0x5c: {  	_ =	shalt  }
0x5d: {  	_ =	shalt  }
0x5e: {  	_ =	shalt  }
0x5f: {  	_ =	shalt  }
0x60: {  	_ =	shalt  }
0x61: {  	_ =	shalt  }
0x62: {  	_ =	shalt  }
0x63: {  	_ =	shalt  }
0x64: {  	_ =	shalt  }
0x65: {  	_ =	shalt  }
0x66: {  	_ =	shalt  }
0x67: {  	_ =	shalt  }
0x68: {  	_ =	shalt  }
0x69: {  	_ =	shalt  }
0x6a: {  	_ =	shalt  }
0x6b: {  	_ =	shalt  }
0x6c: {  	_ =	shalt  }
0x6d: {  	_ =	shalt  }
0x6e: {  	_ =	shalt  }
0x6f: {  	_ =	shalt  }
0x70: {  	_ =	shalt  }
0x71: {  	_ =	shalt  }
0x72: {  	_ =	shalt  }
0x73: {  	_ =	shalt  }
0x74: {  	_ =	shalt  }
0x75: {  	_ =	shalt  }
0x76: {  	_ =	shalt  }
0x77: {  	_ =	shalt  }
0x78: {  	_ =	shalt  }
0x79: {  	_ =	shalt  }
0x7a: {  	_ =	shalt  }
0x7b: {  	_ =	shalt  }
0x7c: {  	_ =	shalt  }
0x7d: {  	_ =	shalt  }
0x7e: {  	_ =	shalt  }
0x7f: {  	_ =	shalt  }
0x80: {  	_ =	shalt  }
0x81: {  	_ =	shalt  }
0x82: {  	_ =	shalt  }
0x83: {  	_ =	shalt  }
0x84: {  	_ =	shalt  }
0x85: {  	_ =	shalt  }
0x86: {  	_ =	shalt  }
0x87: {  	_ =	shalt  }
.Lfunc_end0:
.L_simem_size_0:
called_computation.1_lowered:
.L_overlay_start_0:
0x88: {  	s2 =	sld [smem:$0x3FD9]  }
0x89: {  	s3 =	sld [smem:$0x3FFE];
	_ =	sdelay $0x1  }
0x8a: {  	s1 =	srdreg.scid  }
0x8b: {  	s0 =	sand.u32 $0x1, s1  }
0x8c: {  	s17 =	sshll.u32 s0, $0xA;
	s2 =	sadd.s32 s3, s2  }
0x8d: {  	s2 =	sadd.s32 s2, s17  }
0x8e: {  	[smem:$0x3FC4] =	sst s2  }
0x8f: {  	_ = 	snop  }
0x90: {  	s2 =	sld [smem:$0x3FC7]  }
0x91: {  	s18 =	sld [smem:$0x3FC6]  }
0x92: {  	s4 =	sld [smem:$0x3FD0];
	(tm) =	ssettm $0x1  }
0x93: {  	s5 =	sld [smem:$0x3FFB];
	_ =	sdelay $0x3  }
0x94: {  	_ =	strace s5  }
0x95: {  	s5 =	sld [smem:$0x3FFC];
	_ =	sdelay $0x3  }
0x96: {  	_ =	strace s5  }
0x97: {  	s5 =	sld [smem:$0x3FFD];
	_ =	sdelay $0x3  }
0x98: {  	_ =	strace s5  }
0x99: {  	_ =	strace $0x8FFFFFFF  }
0x9a: {  	s19 =	sld [smem:$0x3FDB];
	_ =	sdelay $0x1  }
0x9b: {  	s6 =	simm.s32 $_scs_section_size  }
0x9c: {  	s7 =	simm.s32 $_size__tile_overlayer_lowered;
	s8 =	simm.s32 $_tile_overlayer_lowered  }
0x9d: {  	s22 =	simm.s32 $0x1BFF;
	s21 =	sshll.u32 s8, $0x1;
	s5 =	sadd.s32 s6, s19  }
0x9e: {  	s9 =	simm.s32 $0x0;
	s20 =	sshll.u32 s7, $0x1;
	s7 =	sadd.s32 s21, s5  }
0x9f: {  	[timem:s9], [sflag:s22] =	dma.local [hbm:s7], s20  }
0xa0: {  	_ =	swait.ge [sflag:s22], s20  }
0xa1: {  	s6 =	ssub.s32 $0x0, s20;
	[sflag:s22] =	ssyncset.done $0x0  }
0xa2: {  	[sflag:s22] =	ssyncadd.s32 s6;
	_ =	sdelay $0x1  }
0xa3: {  	s23 =	simm.s32 $0x1B8B  }
0xa4: {  	_ =	swait.ge [sflag:s23], $0x1  }
0xa5: {  	[sflag:s23] =	ssyncset.done $0x0  }
0xa6: {  	s25 =	simm.s32 $0x1B8E;
	s24 =	sld [smem:$0x3FFE];
	[sflag:s23] =	ssyncadd.s32 $0xFFFFFFFF  }
0xa7: {  	s26 =	simm.s32 $execute0_lowered;
	[smem:$0x3FD2] =	sst s25  }
0xa8: {  	s7 =	sshll.u32 s26, $0x1;
	_ =	strace $0x80000046;
	[dreg:$0x1] =	wrdreg $0xFFFFFFFF  }
0xa9: {  	s28 =	simm.s32 $_size_execute0_lowered;
	s5 =	sadd.s32 s5, s7;
	[dreg:$0x0] =	wrdreg $0x0  }
0xaa: {  	s7 =	sshll.u32 s28, $0x1;
	[dreg:$0x2] =	wrdreg s5  }
0xab: {  	[dreg:$0x3] =	wrdreg s7  }
0xac: {  	[dreg:$0x4] =	wrdreg $0xC0  }
0xad: {  	_ =	task [dreg:s9], $0x5FFFF  }
0xae: {  	[dreg:$0x1] =	wrdreg $0xFFFFFFFF  }
0xaf: {  	[dreg:$0x0] =	wrdreg $0x60  }
0xb0: {  	[dreg:$0x2] =	wrdreg s24  }
0xb1: {  	[dreg:$0x3] =	wrdreg s2  }
0xb2: {  	[dreg:$0x4] =	wrdreg s18  }
0xb3: {  	[dreg:$0x5] =	wrdreg s4  }
0xb4: {  	[dreg:$0x6] =	wrdreg $0x9  }
0xb5: {  	_ =	task.clear_ibuf [dreg:s9], $0x7FFFF;
	_ =	strace $0x90000046  }
0xb6: {  	s29 =	simm.s32 $0x9;
	_ =	strace $0x80000048  }
0xb7: {  	_ =	swait.ge [sflag:s29], $0x1  }
0xb8: {  	[sflag:s29] =	ssyncadd.s32 $0xFFFFFFFF  }
0xb9: {  	_ =	strace $0x90000048  }
0xba: {  	_ =	sfence  }
0xbb: {  	s30 =	sld [smem:$0x0];
	_ =	sdelay $0x2  }
0xbc: {  	s31 =	sshll.u32 s1, $0xD;
	s1 =	sshrl.u32 s1, $0x2  }
0xbd: {  	s3 =	sand.u32 $0x4000, s31;
	s1 =	sadd.s32 s1, s30  }
0xbe: {  	s0 =	sor.u32 s3, s0;
	s1 =	sshll.u32 s1, $0x11  }
0xbf: {  	s0 =	sor.u32 s1, s0  }
0xc0: {  	s0 =	sadd.s32 $0x8F2B, s0  }
0xc1: {  	[sflag:s0] =	ssyncadd.remote.s32 $0x1  }
0xc2: {  	_ =	sfence.sel $0xFFFF  }
0xc3: {  	[dreg:$0x0] =	wrdreg $0xFFFFFFFF;
	(pc) =	sbr.abs _section_cstart, $3  }
0xc4: {  	[dreg:$0x1] =	wrdreg $0xFFFFFFFF  }
0xc5: {  	_ =	task.clear_ibuf [dreg:s9], $0x2FFFF;
	_ =	strace $0x9FFFFFFF  }
0xc6: {  	(tm) =	ssettm $0x7FFFFFFF  }
0xc7: {  	_ =	shalt  }
tec
execute0_lowered:
.L_overlay_start_1:
0x0: {  	(tag) =	ssettag $0x1  }
0x1: {  	s0 =	rddreg [dreg:$0x0]  }
0x2: {  	s1 =	rddreg [dreg:$0x1];
	s2 =	srdreg.scid  }
0x3: {  	s3 =	stileid.u32;
	s4 =	rddreg [dreg:$0x3];
	s5 =	simm.s32 $0x0  }
0x4: {  	s10 =	simm.s32 $0x19400;
	s11 =	simm.s32 $0x5;
	s12 =	simm.s32 $0x68;
	v0 =	vlaneseq.u32  }
0x5: {  	s13 =	simm.s32 $0x3400;
	s14 =	simm.s32 $0xB400;
	[smem:$0x7FF] =	sst s5;
	v55 =	vand.u32 $0x7, v0;
	v56 =	vshrl.u32 v0, $0x3  }
0x6: {  	s24 =	simm.s32 $0x7400;
	s25 =	simm.s32 $0xBC00;
	_ =	strace $0x80000047;
	v60 =	vmul.u32 $0x8, v55;
	[tilespmem:$0x1FFD0] =	vst v56  }
0x7: {  	s28 =	simm.s32 $0x7740;
	s29 =	simm.s32 $0xBC68;
	s31 =	simm.s32 $0x7A80;
	[tilespmem:$0x1FFE0] =	vst v55  }
0x8: {  	s15 =	simm.s32 $0xBD38;
	s2 =	sand.u32 $0x1, s2;
	s3 =	sshll.u32 s3, $0x1;
	v37 =	vor.u32 $0x1, v60;
	[tilespmem:$0x1FFF0] =	vst v60  }
0x9: {  	s16 =	simm.s32 $0x1;
	s18 =	simm.s32 $0xC400;
	s3 =	sor.u32 s2, s3;
	v11 =	vor.u32 $0x6, v60;
	[tilespmem:$0x1FF60] =	vst v37  }
0xa: {  	s19 =	simm.s32 $0x2;
	s21 =	simm.s32 $0x12C00;
	s6 =	smul.u32 $0x680, s3;
	v14 =	vor.u32 $0x5, v60;
	[tilespmem:$0x1FF70] =	vst v11  }
.Ltmp0:
0xb: {  	s17 =	simm.s32 $0x4;
	s2 =	ssub.s32 $0x2, s2;
	v42 =	vor.u32 $0x3, v60;
	[tilespmem:$0x1FF80] =	vst v14;
	(pc) =	sbr.rel .LBB2_1-.Ltmp0, $4  }
0xc: {  	s20 =	simm.s32 $0x0;
	s26 =	sshrl.u32 s2, $0x1;
	v43 =	vor.u32 $0x4, v60;
	s7 =	sadd.s32 s6, s0;
	[tilespmem:$0x1FF90] =	vst v42  }
0xd: {  	v41 =	vor.u32 $0x2, v60;
	s6 =	sadd.s32 $0xF42A00, s0;
	s0 =	ssub.s32 s2, s26;
	[tilespmem:$0x1FFA0] =	vst v43;
	s30 =	sadd.s32 $0x600, s7  }
0xe: {  	s8 =	sshll.u32 s3, $0x9;
	v61 =	vor.u32 $0x7, v60;
	[tilespmem:$0x1FFB0] =	vst v41;
	s0 =	smax.u32 s0, $0x1;
	[dreg:$0x5] =	wrdreg s30  }
0xf: {  	s3 =	simm.s32 $0x7DC0;
	s2 =	simm.s32 $0xBCD0;
	[tilespmem:$0x1FFC0] =	vst v61;
	[dreg:$0x6] =	wrdreg s0  }
.LBB2_8:
0x10: {  	s0 =	simm.s32 $0x3  }
0x11: {  	_ =	swait.ge [sflag:s0], $0x6800  }
0x12: {  	[sflag:s0] =	ssyncset.done $0x0  }
0x13: {  	[sflag:s0] =	ssyncadd.s32 $0xFFFF9800  }
0x14: {  	_ =	swait.ge [sflag:s17], $0x6800  }
0x15: {  	s20 =	sadd.s32 $0x1, s20;
	s30 =	rddreg [dreg:$0x6]  }
0x16: {  	p0 =	sne.s32 s20, s30  }
.Ltmp1:
0x17: {  	_ = 	snop;
	(pc) =	sbr.rel @!p0 .LBB2_9-.Ltmp1, $3  }
0x18: {  	_ =	sdelay $0x1  }
0x19: {  	[sflag:s17] =	ssyncset.done $0x0  }
0x1a: {  	v55 =	vmovc v29;
	v60 =	vmov v31;
	v56 =	vmov v36;
	v41 =	vmov v38;
	[sflag:s17] =	ssyncadd.s32 $0xFFFF9800  }
.LBB2_1:
0x1b: {  	s0 =	rddreg [dreg:$0x2]  }
0x1c: {  	[tilespmem:s10], [sflag:$0x5] =	stream.linear.gather [hbm4b:s0+s5], $0x10, $0x38;
	[tilespmem:$0x19410] =	vst v63  }
0x1d: {  	_ =	swait.ge [sflag:s11], $0x10  }
0x1e: {  	[sflag:s11] =	ssyncset.done $0x0  }
0x1f: {  	s30 =	rddreg [dreg:$0x5];
	[sflag:s11] =	ssyncadd.s32 $0xFFFFFFF0  }
0x20: {  	[tilespmem:s5], [sflag:$0x5] =	stream.linear.gather [hbm4b:s30+s5], $0x3400, $0x38;
	[tilespmem:$0x19410] =	vst v63  }
0x21: {  	_ =	swait.ge [sflag:s11], $0x3400  }
0x22: {  	[sflag:s11] =	ssyncset.done $0x0  }
0x23: {  	[sflag:s11] =	ssyncadd.s32 $0xFFFFCC00  }
0x24: {  	[tilespmem:s13], [sflag:$0x1] =	stream.indirect.gather [hbm4b:s6+s12], $0x8, s5, s12, $0xb8;
	[tilespmem:$0x19410] =	vst v63  }
0x25: {  	_ = 	snop  }
0x26: {  	[tilespmem:s14], [sflag:$0x1] =	stream.indirect.gather [hbm4b:s1+s12], $0x1, s5, s12, $0xb8;
	[tilespmem:$0x19410] =	vst v63  }
0x27: {  	s7 =	simm.s32 $0x3740  }
0x28: {  	[tilespmem:s7], [sflag:$0x1] =	stream.indirect.gather [hbm4b:s6+s12], $0x8, s12, s12, $0xb8;
	[tilespmem:$0x19410] =	vst v63  }
0x29: {  	s9 =	simm.s32 $0xB468  }
0x2a: {  	[tilespmem:s9], [sflag:$0x1] =	stream.indirect.gather [hbm4b:s1+s12], $0x1, s12, s12, $0xb8;
	[tilespmem:$0x19410] =	vst v63  }
0x2b: {  	s22 =	simm.s32 $0xD0;
	s7 =	simm.s32 $0x3A80  }
0x2c: {  	[tilespmem:s7], [sflag:$0x1] =	stream.indirect.gather [hbm4b:s6+s12], $0x8, s22, s12, $0xb8;
	[tilespmem:$0x19410] =	vst v63  }
0x2d: {  	s23 =	simm.s32 $0xB4D0  }
0x2e: {  	[tilespmem:s23], [sflag:$0x1] =	stream.indirect.gather [hbm4b:s1+s12], $0x1, s22, s12, $0xb8;
	[tilespmem:$0x19410] =	vst v63  }
0x2f: {  	s26 =	simm.s32 $0x138;
	s30 =	simm.s32 $0x3DC0  }
0x30: {  	[tilespmem:s30], [sflag:$0x1] =	stream.indirect.gather [hbm4b:s6+s12], $0x8, s26, s12, $0xb8;
	[tilespmem:$0x19410] =	vst v63  }
0x31: {  	s9 =	simm.s32 $0xB538  }
0x32: {  	[tilespmem:s9], [sflag:$0x1] =	stream.indirect.gather [hbm4b:s1+s12], $0x1, s26, s12, $0xb8;
	[tilespmem:$0x19410] =	vst v63  }
0x33: {  	s22 =	simm.s32 $0x1A0  }
0x34: {  	[tilespmem:s24], [sflag:$0x2] =	stream.indirect.gather [hbm4b:s6+s12], $0x8, s22, s12, $0xb8;
	[tilespmem:$0x19410] =	vst v63  }
0x35: {  	_ = 	snop  }
0x36: {  	[tilespmem:s25], [sflag:$0x2] =	stream.indirect.gather [hbm4b:s1+s12], $0x1, s22, s12, $0xb8;
	[tilespmem:$0x19410] =	vst v63  }
0x37: {  	s23 =	simm.s32 $0x208  }
0x38: {  	[tilespmem:s28], [sflag:$0x2] =	stream.indirect.gather [hbm4b:s6+s12], $0x8, s23, s12, $0xb8;
	[tilespmem:$0x19410] =	vst v63  }
0x39: {  	_ = 	snop  }
0x3a: {  	[tilespmem:s29], [sflag:$0x2] =	stream.indirect.gather [hbm4b:s1+s12], $0x1, s23, s12, $0xb8;
	[tilespmem:$0x19410] =	vst v63  }
0x3b: {  	s26 =	simm.s32 $0x270  }
0x3c: {  	[tilespmem:s31], [sflag:$0x2] =	stream.indirect.gather [hbm4b:s6+s12], $0x8, s26, s12, $0xb8;
	[tilespmem:$0x19410] =	vst v63  }
0x3d: {  	_ = 	snop  }
0x3e: {  	[tilespmem:s2], [sflag:$0x2] =	stream.indirect.gather [hbm4b:s1+s12], $0x1, s26, s12, $0xb8;
	[tilespmem:$0x19410] =	vst v63  }
0x3f: {  	s30 =	simm.s32 $0x2D8  }
0x40: {  	[tilespmem:s3], [sflag:$0x2] =	stream.indirect.gather [hbm4b:s6+s12], $0x8, s30, s12, $0xb8;
	[tilespmem:$0x19410] =	vst v63  }
0x41: {  	s23 =	simm.s32 $0x0  }
0x42: {  	[tilespmem:s15], [sflag:$0x2] =	stream.indirect.gather [hbm4b:s1+s12], $0x1, s30, s12, $0xb8;
	[tilespmem:$0x19410] =	vst v63  }
.LBB2_2:
0x43: {  	_ =	swait.ge [sflag:s16], $0x4000  }
0x44: {  	s7 =	simm.s32 $0x0;
	[sflag:s16] =	ssyncset.done $0x0  }
0x45: {  	s9 =	simm.s32 $0x4;
	v1 =	vor.u32 s7, v56;
	[sflag:s16] =	ssyncadd.s32 $0xFFFFC000  }
0x46: {  	v2 =	vor.u32 s9, v56;
	v0 =	vshll.u32 v1, $0x3;
	_ =	swait.ge [sflag:s16], $0x800  }
0x47: {  	p0 =	seq.s32 s23, $0x0;
	v4 =	vmul.u32 $0x9D9, v2;
	v0 =	vor.u32 v55, v0;
	[sflag:s16] =	ssyncset.done $0x0  }
0x48: {  	s22 =	simm.s32 $0x2;
	s26 =	simm.s32 @!p0 $0x3;
	v3 =	vshll.u32 v2, $0x3;
	v6 =	vmul.u32 $0x9D9, v1;
	[sflag:s16] =	ssyncadd.s32 $0xFFFFF800  }
0x49: {  	v5 =	vor.u32 s22, v56;
	v3 =	vor.u32 v55, v3;
	v4 =	vshrl.u32 v4, $0x10;
	_ =	swait.ge @!p0 [sflag:s26], $0x6800  }
0x4a: {  	v7 =	vshll.u32 v5, $0x3;
	v6 =	vshrl.u32 v6, $0x10;
	v8 =	vmul.u32 $0x3FFFFE6, v4;
	[sflag:s26] =	ssyncset.done @!p0 $0x0  }
0x4b: {  	v7 =	vor.u32 v55, v7;
	v9 =	vmul.u32 $0x3FFFFE6, v6;
	[sflag:s26] =	ssyncadd.s32 @!p0 $0xFFFF9800  }
0x4c: {  	v4 =	vmul.u32 $0x680, v4;
	v8 =	vadd.s32 v2, v8;
	v49 =	vld.idx.msk [tilespmem:v0+s13+$0x0], $0xffff;
	v0 =	vmul.u32 $0x9D9, v5  }
0x4d: {  	v9 =	vadd.s32 v1, v9;
	v8 =	vshll.u32 v8, $0x6  }
0x4e: {  	v12 =	vadd.s32 v4, v8;
	v10 =	vshrl.u32 v0, $0x10;
	v0 =	vld.idx.msk [tilespmem:v3+s13+$0x0], $0xffff;
	v3 =	vmul.u32 $0x680, v6  }
0x4f: {  	s0 =	simm.s32 $0x6;
	v8 =	vor.u32 v11, v12;
	v6 =	vshll.u32 v9, $0x6  }
0x50: {  	v39 =	vld.idx.msk [tilespmem:v7+s13+$0x0], $0xffff;
	v4 =	vor.u32 s0, v56;
	[tilespmem:$0x1FF40] =	vst v8;
	v9 =	vor.u32 v61, v12;
	v16 =	vadd.s32 v3, v6  }
0x51: {  	v36 =	vmov v11;
	v8 =	vshll.u32 v4, $0x3;
	[tilespmem:$0x1FE20] =	vst v9;
	v11 =	vor.u32 v14, v16  }
0x52: {  	v3 =	vor.u32 v55, v8;
	v7 =	vshrl.u32 v49, $0x4;
	v13 =	vor.u32 v36, v16;
	[tilespmem:$0x1FE30] =	vst v11  }
0x53: {  	v7 =	vand.u32 $0xF, v7;
	[tilespmem:$0x1FE40] =	vst v13;
	v13 =	vor.u32 v61, v16;
	v9 =	vshrl.u32 v0, $0x4  }
0x54: {  	[tilespmem:$0x1FE50] =	vst v13;
	v9 =	vand.u32 $0xF, v9  }
0x55: {  	v11 =	vmul.u32 $0x9D9, v4;
	v62 =	vld.idx.msk [tilespmem:v1+s14+$0x0], $0xffff;
	v1 =	vshrl.u32 v39, $0x4  }
0x56: {  	v19 =	vld.idx.msk [tilespmem:v2+s14+$0x0], $0xffff;
	v15 =	vand.u32 $0xF, v1  }
0x57: {  	v11 =	vshrl.u32 v11, $0x10;
	v1 =	vld.idx.msk [tilespmem:v3+s13+$0x0], $0xffff  }
0x58: {  	v58 =	vmovc v14;
	v44 =	vor.u32 v14, v12;
	v6 =	vmul.u32 $0x3FFFFE6, v10;
	v14 =	vmul.u32 $0x3FFFFE6, v11;
	v7 =	vld.idx.msk [tilespmem:v7+s10+$0x0], $0xffff  }
0x59: {  	v10 =	vmul.u32 $0x680, v10;
	v8 =	vor.u32 v60, v16;
	v23 =	vand.u32 $0xF, v49;
	v9 =	vld.idx.msk [tilespmem:v9+s10+$0x0], $0xffff  }
0x5a: {  	v6 =	vadd.s32 v5, v6;
	v28 =	vld.idx.msk [tilespmem:v5+s14+$0x0], $0xffff;
	v2 =	vmul.u32 $0x680, v11;
	v3 =	vadd.s32 v4, v14  }
0x5b: {  	v17 =	vand.u32 $0xF, v0;
	v11 =	vor.u32 v60, v12;
	v3 =	vshll.u32 v3, $0x6;
	v5 =	vld.idx.msk [tilespmem:v15+s10+$0x0], $0xffff  }
0x5c: {  	v18 =	vadd.s32 v2, v3;
	v2 =	vshll.u32 v6, $0x6;
	v6 =	vshrl.u32 v1, $0x4  }
0x5d: {  	v2 =	vadd.s32 v10, v2;
	v6 =	vand.u32 $0xF, v6;
	v3 =	vmul.f32 v7, v62  }
0x5e: {  	v14 =	vshrl.u32 v39, $0xC;
	v7 =	vor.u32 v60, v2;
	v10 =	vmul.f32 v9, v19  }
0x5f: {  	v24 =	vand.u32 $0xF, v14;
	v14 =	vld.idx.msk [tilespmem:v4+s14+$0x0], $0xffff;
	[tilespmem:v8+s18+$0x0] =	vst.idx.msk $0xffff, v3  }
0x60: {  	v23 =	vld.idx.msk [tilespmem:v23+s10+$0x0], $0xffff;
	v30 =	vmul.f32 v5, v28;
	v5 =	vor.u32 v61, v2;
	[tilespmem:v11+s18+$0x0] =	vst.idx.msk $0xffff, v10  }
0x61: {  	s30 =	simm.s32 $0xC;
	v25 =	vand.u32 $0xF, v39;
	v17 =	vld.idx.msk [tilespmem:v17+s10+$0x0], $0xffff;
	[tilespmem:$0x1FE60] =	vst v5  }
0x62: {  	v46 =	vor.u32 s30, v56;
	v32 =	vld.idx.msk [tilespmem:v6+s10+$0x0], $0xffff  }
0x63: {  	v48 =	vmul.u32 $0x9D9, v46;
	[tilespmem:v7+s18+$0x0] =	vst.idx.msk $0xffff, v30;
	v30 =	vor.u32 v37, v12  }
0x64: {  	v33 =	vor.u32 v60, v18  }
0x65: {  	v51 =	vshll.u32 v46, $0x3;
	v48 =	vshrl.u32 v48, $0x10;
	v21 =	vshrl.u32 v0, $0xC;
	v38 =	vld [tilespmem:$0x1FF60]  }
0x66: {  	v59 =	vor.u32 v43, v12;
	v21 =	vand.u32 $0xF, v21;
	v25 =	vld.idx.msk [tilespmem:v25+s10+$0x0], $0xffff;
	v17 =	vmul.f32 v17, v19  }
0x67: {  	v20 =	vshrl.u32 v49, $0xC;
	v29 =	vshrl.u32 v49, $0x14;
	v40 =	vld [tilespmem:$0x1FF60];
	v32 =	vmul.f32 v32, v14  }
0x68: {  	v26 =	vshrl.u32 v1, $0x8;
	v35 =	vand.u32 $0xF, v1;
	v53 =	vshrl.u32 v1, $0xC;
	[tilespmem:v30+s18+$0x0] =	vst.idx.msk $0xffff, v17  }
0x69: {  	v34 =	vand.u32 $0xF, v26;
	v26 =	vor.u32 v42, v16;
	v7 =	vor.u32 v43, v16;
	[tilespmem:v33+s18+$0x0] =	vst.idx.msk $0xffff, v32  }
0x6a: {  	v63 =	vmovc v42;
	v13 =	vmovc v41;
	v37 =	vor.u32 v41, v2;
	v38 =	vor.u32 v38, v16;
	v17 =	vand.u32 $0xF, v20;
	v20 =	vld [tilespmem:$0x1FF60]  }
0x6b: {  	v41 =	vor.u32 v42, v12;
	v42 =	vor.u32 v13, v16;
	v12 =	vor.u32 v13, v12;
	v21 =	vld.idx.msk [tilespmem:v21+s10+$0x0], $0xffff  }
0x6c: {  	s9 =	simm.s32 $0x8;
	v23 =	vmul.f32 v23, v62;
	v40 =	vor.u32 v40, v2;
	v25 =	vmul.f32 v25, v28  }
0x6d: {  	v16 =	vshrl.u32 v0, $0x8;
	v30 =	vand.u32 $0xF, v53;
	v32 =	vld.idx.msk [tilespmem:v35+s10+$0x0], $0xffff;
	v35 =	vor.u32 s9, v56  }
0x6e: {  	v16 =	vand.u32 $0xF, v16;
	v54 =	vshll.u32 v35, $0x3;
	v53 =	vmul.u32 $0x9D9, v35  }
0x6f: {  	[tilespmem:v38+s18+$0x0] =	vst.idx.msk $0xffff, v23;
	v23 =	vor.u32 v55, v51;
	v51 =	vmul.u32 $0x3FFFFE6, v48;
	v20 =	vor.u32 v20, v18  }
0x70: {  	v33 =	vor.u32 v55, v54;
	v54 =	vand.u32 $0xF, v29;
	v21 =	vmul.f32 v21, v19  }
0x71: {  	[tilespmem:v40+s18+$0x0] =	vst.idx.msk $0xffff, v25;
	v25 =	vshrl.u32 v53, $0x10;
	v53 =	vmul.u32 $0x680, v48;
	v38 =	vadd.s32 v46, v51  }
0x72: {  	v17 =	vld.idx.msk [tilespmem:v17+s10+$0x0], $0xffff;
	v29 =	vmul.u32 $0x3FFFFE6, v25;
	v32 =	vmul.f32 v32, v14;
	[tilespmem:v12+s18+$0x0] =	vst.idx.msk $0xffff, v21;
	v12 =	vshll.u32 v38, $0x6  }
0x73: {  	v24 =	vld.idx.msk [tilespmem:v24+s10+$0x0], $0xffff;
	v12 =	vadd.s32 v53, v12  }
0x74: {  	s22 =	simm.s32 $0xA;
	v38 =	vld.idx.msk [tilespmem:v16+s10+$0x0], $0xffff;
	v16 =	vadd.s32 v35, v29;
	v29 =	vor.u32 v58, v12;
	[tilespmem:v20+s18+$0x0] =	vst.idx.msk $0xffff, v32  }
0x75: {  	v45 =	vor.u32 s22, v56;
	v25 =	vmul.u32 $0x680, v25;
	v21 =	vld.idx.msk [tilespmem:v30+s10+$0x0], $0xffff;
	[tilespmem:$0x1FE70] =	vst v29;
	v29 =	vor.u32 v36, v12  }
0x76: {  	v47 =	vshll.u32 v45, $0x3;
	v16 =	vshll.u32 v16, $0x6;
	v33 =	vld.idx.msk [tilespmem:v33+s13+$0x0], $0xffff;
	[tilespmem:$0x1FE80] =	vst v29;
	v29 =	vor.u32 v61, v12  }
0x77: {  	v47 =	vor.u32 v55, v47;
	v16 =	vadd.s32 v25, v16;
	[tilespmem:$0x1FE90] =	vst v29  }
0x78: {  	v4 =	vmovc v36;
	v15 =	vmov v43;
	v43 =	vor.u32 v13, v18;
	v25 =	vld.idx.msk [tilespmem:v23+s13+$0x0], $0xffff;
	v23 =	vor.u32 v58, v16  }
0x79: {  	v22 =	vshrl.u32 v49, $0x8;
	[tilespmem:$0x1FEA0] =	vst v23;
	v23 =	vor.u32 v4, v16  }
0x7a: {  	v22 =	vand.u32 $0xF, v22;
	v57 =	vshrl.u32 v0, $0x14;
	[tilespmem:$0x1FEB0] =	vst v23;
	v23 =	vor.u32 v61, v16  }
0x7b: {  	v21 =	vmul.f32 v21, v14;
	[tilespmem:$0x1FEC0] =	vst v23;
	v23 =	vand.u32 $0xF, v57  }
0x7c: {  	v17 =	vmul.f32 v17, v62  }
0x7d: {  	s26 =	simm.s32 $0xE;
	v27 =	vshrl.u32 v39, $0x8;
	v38 =	vmul.f32 v38, v19;
	v57 =	vshrl.u32 v33, $0x4;
	v30 =	vld.idx.msk [tilespmem:v47+s13+$0x0], $0xffff;
	[tilespmem:v43+s18+$0x0] =	vst.idx.msk $0xffff, v21  }
0x7e: {  	v21 =	vand.u32 $0xF, v27;
	v43 =	vor.u32 s26, v56;
	v27 =	vand.u32 $0xF, v57;
	[tilespmem:v42+s18+$0x0] =	vst.idx.msk $0xffff, v17;
	v34 =	vld.idx.msk [tilespmem:v34+s10+$0x0], $0xffff  }
0x7f: {  	v31 =	vshrl.u32 v1, $0x14;
	[tilespmem:v41+s18+$0x0] =	vst.idx.msk $0xffff, v38;
	v48 =	vmul.u32 $0x9D9, v43;
	v22 =	vld.idx.msk [tilespmem:v22+s10+$0x0], $0xffff  }
0x80: {  	v24 =	vmul.f32 v24, v28;
	v36 =	vmovc v58;
	v17 =	vor.u32 v63, v18;
	v58 =	vshll.u32 v43, $0x3;
	v42 =	vld.idx.msk [tilespmem:v23+s10+$0x0], $0xffff  }
0x81: {  	v38 =	vor.u32 v55, v58;
	v55 =	vand.u32 $0xF, v31;
	v31 =	vld.idx.msk [tilespmem:v46+s14+$0x0], $0xffff;
	v41 =	vshrl.u32 v48, $0x10  }
0x82: {  	v52 =	vmul.u32 $0x9D9, v45;
	v47 =	vshrl.u32 v25, $0x4;
	v23 =	vld.idx.msk [tilespmem:v35+s14+$0x0], $0xffff;
	v48 =	vmul.u32 $0x3FFFFE6, v41  }
0x83: {  	v8 =	vshrl.u32 v0, $0x10;
	[tilespmem:v37+s18+$0x0] =	vst.idx.msk $0xffff, v24;
	v47 =	vand.u32 $0xF, v47;
	v57 =	vld.idx.msk [tilespmem:v27+s10+$0x0], $0xffff;
	v27 =	vmul.f32 v34, v14  }
0x84: {  	v11 =	vand.u32 $0xF, v8;
	v32 =	vshrl.u32 v52, $0x10;
	v21 =	vld.idx.msk [tilespmem:v21+s10+$0x0], $0xffff;
	v46 =	vadd.s32 v43, v48  }
0x85: {  	v48 =	vshrl.u32 v30, $0xC;
	[tilespmem:v17+s18+$0x0] =	vst.idx.msk $0xffff, v27;
	v35 =	vmul.f32 v42, v19;
	v42 =	vmovc v28;
	v28 =	vshrl.u32 v30, $0x8  }
0x86: {  	v24 =	vmul.u32 $0x680, v41;
	v27 =	vshll.u32 v46, $0x6;
	v46 =	vand.u32 $0xF, v48;
	v48 =	vld.idx.msk [tilespmem:v38+s13+$0x0], $0xffff;
	[tilespmem:$0x1FED0] =	vst v28  }
0x87: {  	v52 =	vor.u32 v60, v16;
	v58 =	vshrl.u32 v30, $0x4;
	v28 =	vshrl.u32 v25, $0x14;
	[tilespmem:v59+s18+$0x0] =	vst.idx.msk $0xffff, v35  }
0x88: {  	v27 =	vadd.s32 v24, v27;
	v24 =	vand.u32 $0xF, v58;
	v47 =	vld.idx.msk [tilespmem:v47+s10+$0x0], $0xffff;
	[tilespmem:$0x1FEE0] =	vst v28;
	v28 =	vshrl.u32 v30, $0x14  }
0x89: {  	v9 =	vshrl.u32 v39, $0x14;
	v20 =	vor.u32 v63, v2;
	v51 =	vmul.u32 $0x3FFFFE6, v32;
	[tilespmem:$0x1FEF0] =	vst v28  }
0x8a: {  	v32 =	vmul.u32 $0x680, v32;
	v22 =	vmul.f32 v22, v62;
	v17 =	vor.u32 v60, v12;
	v55 =	vld.idx.msk [tilespmem:v55+s10+$0x0], $0xffff  }
0x8b: {  	v41 =	vand.u32 $0xF, v33;
	v58 =	vadd.s32 v45, v51;
	v35 =	vmul.f32 v57, v23;
	v11 =	vld.idx.msk [tilespmem:v11+s10+$0x0], $0xffff  }
0x8c: {  	v9 =	vand.u32 $0xF, v9;
	v37 =	vshll.u32 v58, $0x6;
	v21 =	vmul.f32 v21, v42;
	[tilespmem:v26+s18+$0x0] =	vst.idx.msk $0xffff, v22;
	v26 =	vld.idx.msk [tilespmem:v45+s14+$0x0], $0xffff  }
0x8d: {  	v32 =	vadd.s32 v32, v37;
	[tilespmem:v52+s18+$0x0] =	vst.idx.msk $0xffff, v35;
	v24 =	vld.idx.msk [tilespmem:v24+s10+$0x0], $0xffff;
	v37 =	vmul.f32 v47, v31  }
0x8e: {  	v53 =	vand.u32 $0xF, v25;
	v22 =	vshrl.u32 v25, $0x10;
	[tilespmem:v20+s18+$0x0] =	vst.idx.msk $0xffff, v21;
	v35 =	vld.idx.msk [tilespmem:v43+s14+$0x0], $0xffff  }
0x8f: {  	v50 =	vshrl.u32 v0, $0x18;
	v0 =	vshrl.u32 v0, $0x1C;
	v21 =	vld.idx.msk [tilespmem:v54+s10+$0x0], $0xffff;
	[tilespmem:v17+s18+$0x0] =	vst.idx.msk $0xffff, v37;
	v17 =	vand.u32 $0xF, v22  }
0x90: {  	v45 =	vor.u32 v15, v18;
	v54 =	vld.idx.msk [tilespmem:v41+s10+$0x0], $0xffff;
	v11 =	vmul.f32 v11, v19;
	[tilespmem:$0x1FF00] =	vst v17;
	v17 =	vshrl.u32 v48, $0x14  }
0x91: {  	v10 =	vshrl.u32 v1, $0x10;
	v9 =	vld.idx.msk [tilespmem:v9+s10+$0x0], $0xffff;
	[tilespmem:$0x1FF10] =	vst v17  }
0x92: {  	v10 =	vand.u32 $0xF, v10;
	v37 =	vld [tilespmem:$0x1FF60];
	v17 =	vshrl.u32 v39, $0x18;
	[tilespmem:v44+s18+$0x0] =	vst.idx.msk $0xffff, v11;
	v11 =	vmul.f32 v55, v14  }
0x93: {  	v44 =	vand.u32 $0xF, v17;
	v22 =	vld.idx.msk [tilespmem:v53+s10+$0x0], $0xffff;
	v17 =	vmul.f32 v24, v26;
	v24 =	vshrl.u32 v48, $0x10  }
0x94: {  	v8 =	vshrl.u32 v49, $0x18;
	v5 =	vshrl.u32 v49, $0x10;
	v0 =	vld.idx.msk [tilespmem:v0+s10+$0x0], $0xffff;
	[tilespmem:$0x1FF20] =	vst v24  }
0x95: {  	v41 =	vor.u32 v60, v32;
	[tilespmem:v45+s18+$0x0] =	vst.idx.msk $0xffff, v11;
	v11 =	vand.u32 $0xF, v5;
	v5 =	vand.u32 $0xF, v8  }
0x96: {  	[tilespmem:$0x1FF30] =	vst v5  }
0x97: {  	v6 =	vshrl.u32 v1, $0x18;
	v5 =	vshrl.u32 v1, $0x1C;
	v1 =	vld.idx.msk [tilespmem:v10+s10+$0x0], $0xffff;
	_ =	sdelay $0x1  }
0x98: {  	v3 =	vshrl.u32 v39, $0x10;
	v29 =	vshrl.u32 v33, $0xC;
	v21 =	vmul.f32 v21, v62  }
0x99: {  	v40 =	vshrl.u32 v33, $0x8;
	v56 =	vshrl.u32 v25, $0xC;
	v34 =	vshrl.u32 v30, $0x10;
	[tilespmem:v41+s18+$0x0] =	vst.idx.msk $0xffff, v17  }
0x9a: {  	v51 =	vshrl.u32 v33, $0x14;
	v52 =	vand.u32 $0xF, v30;
	v20 =	vshrl.u32 v48, $0x4;
	[tilespmem:v7+s18+$0x0] =	vst.idx.msk $0xffff, v21  }
0x9b: {  	v20 =	vand.u32 $0xF, v20;
	v17 =	vand.u32 $0xF, v56;
	v56 =	vmul.f32 v1, v14;
	v1 =	vld [tilespmem:$0x1FF40]  }
0x9c: {  	v58 =	vshrl.u32 v39, $0x1C;
	v59 =	vor.u32 v63, v16;
	v57 =	vshrl.u32 v48, $0x8  }
0x9d: {  	v43 =	vand.u32 $0xF, v50;
	v50 =	vshrl.u32 v48, $0x18;
	v47 =	vor.u32 v15, v16  }
0x9e: {  	v39 =	vand.u32 $0xF, v3;
	v3 =	vor.u32 v15, v2;
	v53 =	vor.u32 v60, v27  }
0x9f: {  	v38 =	vmovc v4;
	v28 =	vmovc v14;
	v60 =	vand.u32 $0xF, v57;
	v55 =	vand.u32 $0xF, v6;
	v6 =	vshrl.u32 v49, $0x1C;
	v10 =	vld.idx.msk [tilespmem:v52+s10+$0x0], $0xffff  }
0xa0: {  	v8 =	vmul.f32 v54, v23;
	v54 =	vor.u32 v61, v32;
	v24 =	vor.u32 v37, v12;
	v20 =	vld.idx.msk [tilespmem:v20+s10+$0x0], $0xffff  }
0xa1: {  	v49 =	vmovc v25;
	v9 =	vmul.f32 v9, v42;
	v7 =	vor.u32 v36, v2;
	v0 =	vmul.f32 v0, v19  }
0xa2: {  	v41 =	vmovc v62;
	v62 =	vor.u32 v37, v16;
	v52 =	vor.u32 v4, v2;
	v2 =	vmul.f32 v22, v31  }
0xa3: {  	v57 =	vand.u32 $0xF, v48;
	v4 =	vor.u32 v63, v12;
	[tilespmem:v1+s18+$0x0] =	vst.idx.msk $0xffff, v0;
	v1 =	vor.u32 v15, v12  }
0xa4: {  	v22 =	vor.u32 v37, v32;
	v21 =	vmul.f32 v10, v26;
	v10 =	vor.u32 v13, v16;
	[tilespmem:$0x1FF50] =	vst v1  }
0xa5: {  	v61 =	vshrl.u32 v33, $0x10;
	v0 =	vmul.f32 v20, v35;
	v20 =	vor.u32 v13, v12;
	[tilespmem:v24+s18+$0x0] =	vst.idx.msk $0xffff, v2  }
0xa6: {  	v63 =	vshrl.u32 v25, $0x18;
	v12 =	vor.u32 v36, v18;
	v1 =	vshrl.u32 v25, $0x8;
	[tilespmem:v3+s18+$0x0] =	vst.idx.msk $0xffff, v9;
	v16 =	vld.idx.msk [tilespmem:v11+s10+$0x0], $0xffff  }
0xa7: {  	v2 =	vand.u32 $0xF, v1;
	[tilespmem:v53+s18+$0x0] =	vst.idx.msk $0xffff, v0;
	v53 =	vshrl.u32 v33, $0x18;
	v9 =	vld.idx.msk [tilespmem:v43+s10+$0x0], $0xffff;
	v3 =	vor.u32 v38, v18  }
0xa8: {  	s30 =	simm.s32 $0x16;
	s26 =	simm.s32 $0x4;
	v43 =	vmovc v18;
	v0 =	vor.u32 v13, v32;
	v24 =	vshrl.u32 v48, $0xC;
	v11 =	vor.u32 v13, v27;
	v1 =	vld.idx.msk [tilespmem:v39+s10+$0x0], $0xffff  }
.LBB2_3:
0xa9: {  	v13 =	vld [tilespmem:$0x1FFD0];
	v14 =	vmov v63  }
0xaa: {  	[tilespmem:$0x1FDD0] =	vst v14;
	v14 =	vld [tilespmem:$0x1FE60];
	_ =	sdelay $0x1  }
0xab: {  	[tilespmem:v12+s18+$0x0] =	vst.idx.msk $0xffff, v56;
	v12 =	vld [tilespmem:$0x1FE80]  }
0xac: {  	s9 =	sadd.s32 $0xFFFFFFFE, s30;
	[tilespmem:v62+s18+$0x0] =	vst.idx.msk $0xffff, v8;
	v62 =	vld.idx.msk [tilespmem:v17+s10+$0x0], $0xffff  }
0xad: {  	v38 =	vld.idx.msk [tilespmem:v5+s10+$0x0], $0xffff;
	v5 =	vmov v54;
	v17 =	vor.u32 s9, v13  }
0xae: {  	[tilespmem:$0x1FE60] =	vst v5;
	v63 =	vmov v14;
	v5 =	vmul.u32 $0x9D9, v17;
	v14 =	vld [tilespmem:$0x1FE30]  }
0xaf: {  	[tilespmem:$0x1FDC0] =	vst v34  }
0xb0: {  	[tilespmem:v22+s18+$0x0] =	vst.idx.msk $0xffff, v21;
	v21 =	vshrl.u32 v5, $0x10;
	v5 =	vld [tilespmem:$0x1FE20]  }
0xb1: {  	[tilespmem:$0x1FDA0] =	vst v30;
	v25 =	vld [tilespmem:$0x1FFE0]  }
0xb2: {  	[tilespmem:$0x1FDB0] =	vst v48;
	s7 =	sadd.s32 $0xFFFFFFFA, s30;
	v30 =	vand.u32 $0xF, v24;
	v24 =	vld [tilespmem:$0x1FE90]  }
0xb3: {  	s0 =	sadd.s32 $0xFFFFFFFC, s30;
	v16 =	vmul.f32 v16, v41;
	v34 =	vld [tilespmem:$0x1FF80];
	v1 =	vmul.f32 v1, v42;
	v36 =	vor.u32 s7, v13;
	v15 =	vmovc v12;
	v12 =	vmovc v33  }
0xb4: {  	v57 =	vld.idx.msk [tilespmem:v57+s10+$0x0], $0xffff;
	v48 =	vand.u32 $0xF, v29;
	v8 =	vor.u32 s0, v13;
	[tilespmem:$0x1FDE0] =	vst v12;
	v12 =	vshll.u32 v36, $0x3  }
0xb5: {  	v46 =	vld.idx.msk [tilespmem:v46+s10+$0x0], $0xffff;
	v39 =	vshll.u32 v8, $0x3;
	v45 =	vshll.u32 v17, $0x3;
	v56 =	vmul.f32 v62, v31;
	[tilespmem:v7+s18+$0x0] =	vst.idx.msk $0xffff, v1  }
0xb6: {  	v33 =	vor.u32 v25, v45;
	v62 =	vld.idx.msk [tilespmem:v58+s10+$0x0], $0xffff;
	[tilespmem:v14+s18+$0x0] =	vst.idx.msk $0xffff, v16;
	v16 =	vmul.f32 v9, v19  }
0xb7: {  	v29 =	vor.u32 v37, v27;
	v12 =	vor.u32 v25, v12;
	v37 =	vor.u32 v25, v39;
	v39 =	vld [tilespmem:$0x1FFC0]  }
0xb8: {  	v14 =	vld [tilespmem:$0x1FEA0];
	v19 =	vmul.u32 $0x9D9, v36;
	[tilespmem:v5+s18+$0x0] =	vst.idx.msk $0xffff, v16  }
0xb9: {  	v22 =	vld.idx.msk [tilespmem:v48+s10+$0x0], $0xffff;
	[tilespmem:v20+s18+$0x0] =	vst.idx.msk $0xffff, v56  }
0xba: {  	v16 =	vshrl.u32 v19, $0x10;
	v19 =	vmul.u32 $0x3FFFFE6, v21;
	v45 =	vld.idx.msk [tilespmem:v2+s10+$0x0], $0xffff  }
0xbb: {  	v20 =	vmul.f32 v57, v35;
	v58 =	vld.idx.msk [tilespmem:v33+s13+$0x0], $0xffff  }
0xbc: {  	v19 =	vadd.s32 v17, v19;
	v33 =	vld.idx.msk [tilespmem:v12+s13+$0x0], $0xffff  }
0xbd: {  	v1 =	vmul.u32 $0x3FFFFE6, v16;
	v9 =	vmovc v14;
	v14 =	vmov v24;
	v19 =	vshll.u32 v19, $0x6;
	[tilespmem:v29+s18+$0x0] =	vst.idx.msk $0xffff, v20;
	v20 =	vld.idx.msk [tilespmem:v6+s10+$0x0], $0xffff  }
0xbe: {  	v18 =	vmov v41;
	v21 =	vmul.u32 $0x680, v21;
	[tilespmem:$0x1FE20] =	vst v14;
	v14 =	vld [tilespmem:$0x1FF70]  }
0xbf: {  	[tilespmem:$0x1FDF0] =	vst v15;
	v41 =	vmul.u32 $0x9D9, v8;
	v2 =	vmul.f32 v38, v28;
	v1 =	vadd.s32 v36, v1;
	v29 =	vld.idx.msk [tilespmem:v30+s10+$0x0], $0xffff  }
0xc0: {  	v15 =	vld [tilespmem:$0x1FF90];
	[tilespmem:$0x1FE30] =	vst v9;
	v6 =	vshll.u32 v1, $0x6;
	v1 =	vadd.s32 v21, v19;
	v22 =	vmul.f32 v22, v23;
	v19 =	vmovc v31  }
0xc1: {  	v7 =	vshrl.u32 v41, $0x10;
	v21 =	vand.u32 $0xF, v40;
	[tilespmem:v3+s18+$0x0] =	vst.idx.msk $0xffff, v2;
	v3 =	vld [tilespmem:$0x1FFF0];
	v40 =	vmul.f32 v45, v19  }
0xc2: {  	v54 =	vmul.u32 $0x680, v7;
	v30 =	vmul.u32 $0x3FFFFE6, v7;
	v7 =	vld [tilespmem:$0x1FEE0];
	[tilespmem:v10+s18+$0x0] =	vst.idx.msk $0xffff, v22  }
0xc3: {  	v9 =	vand.u32 $0xF, v51;
	v51 =	vld.idx.msk [tilespmem:v55+s10+$0x0], $0xffff;
	v2 =	vor.u32 v14, v1;
	[tilespmem:v4+s18+$0x0] =	vst.idx.msk $0xffff, v40  }
0xc4: {  	v16 =	vmul.u32 $0x680, v16;
	v36 =	vld.idx.msk [tilespmem:v36+s14+$0x0], $0xffff;
	v22 =	vmul.f32 v29, v35;
	[tilespmem:$0x1FE80] =	vst v2;
	v2 =	vor.u32 v39, v1  }
0xc5: {  	v4 =	vld [tilespmem:$0x1FE40];
	[tilespmem:$0x1FE90] =	vst v2  }
0xc6: {  	v2 =	vadd.s32 v16, v6;
	[tilespmem:v11+s18+$0x0] =	vst.idx.msk $0xffff, v22;
	v11 =	vld [tilespmem:$0x1FF30]  }
0xc7: {  	v62 =	vmul.f32 v62, v42;
	v41 =	vand.u32 $0xF, v7;
	v7 =	vld [tilespmem:$0x1FED0];
	v6 =	vor.u32 v34, v2  }
0xc8: {  	v24 =	vmov v50;
	v50 =	vor.u32 s30, v13;
	v21 =	vld.idx.msk [tilespmem:v21+s10+$0x0], $0xffff;
	[tilespmem:$0x1FEA0] =	vst v6  }
0xc9: {  	v6 =	vld.idx.msk [tilespmem:v37+s13+$0x0], $0xffff;
	[tilespmem:v52+s18+$0x0] =	vst.idx.msk $0xffff, v62;
	v62 =	vshll.u32 v50, $0x3  }
0xca: {  	v55 =	vmov v53;
	v22 =	vld [tilespmem:$0x1FEB0];
	v53 =	vor.u32 v25, v62  }
0xcb: {  	v20 =	vmul.f32 v20, v18;
	v31 =	vor.u32 v14, v2;
	v45 =	vld.idx.msk [tilespmem:v60+s10+$0x0], $0xffff;
	v52 =	vor.u32 v39, v43  }
0xcc: {  	v12 =	vmov v61;
	v57 =	vshrl.u32 v33, $0x4;
	v13 =	vmov v31;
	v31 =	vld.idx.msk [tilespmem:v17+s14+$0x0], $0xffff  }
0xcd: {  	v61 =	vmul.u32 $0x9D9, v50;
	v37 =	vmul.f32 v46, v26;
	v46 =	vand.u32 $0xF, v57;
	v44 =	vld.idx.msk [tilespmem:v44+s10+$0x0], $0xffff;
	[tilespmem:v4+s18+$0x0] =	vst.idx.msk $0xffff, v20  }
0xce: {  	v51 =	vmul.f32 v51, v28;
	v10 =	vand.u32 $0xF, v7;
	v11 =	vld.idx.msk [tilespmem:v11+s10+$0x0], $0xffff  }
0xcf: {  	v20 =	vshrl.u32 v61, $0x10;
	v28 =	vld.idx.msk [tilespmem:v53+s13+$0x0], $0xffff  }
0xd0: {  	v25 =	vshrl.u32 v33, $0x8;
	v62 =	vmov v22;
	v22 =	vmul.u32 $0x3FFFFE6, v20;
	[tilespmem:v52+s18+$0x0] =	vst.idx.msk $0xffff, v51;
	v52 =	vld [tilespmem:$0x1FEC0]  }
0xd1: {  	v7 =	vmov v47;
	v47 =	vmov v42;
	v42 =	vshrl.u32 v58, $0x4;
	[tilespmem:$0x1FE10] =	vst v25;
	v61 =	vld.idx.msk [tilespmem:v41+s10+$0x0], $0xffff  }
0xd2: {  	v43 =	vand.u32 $0xF, v42;
	[tilespmem:v0+s18+$0x0] =	vst.idx.msk $0xffff, v37;
	v17 =	vmul.u32 $0x680, v20;
	v25 =	vld.idx.msk [tilespmem:v46+s10+$0x0], $0xffff;
	v22 =	vadd.s32 v50, v22  }
0xd3: {  	v48 =	vmovc v27;
	v29 =	vor.u32 v15, v27;
	[tilespmem:$0x1FEB0] =	vst v13;
	v27 =	vshrl.u32 v6, $0xC;
	v10 =	vld.idx.msk [tilespmem:v10+s10+$0x0], $0xffff;
	v22 =	vshll.u32 v22, $0x6  }
0xd4: {  	[tilespmem:$0x1FE40] =	vst v62;
	v46 =	vand.u32 $0xF, v27;
	v0 =	vmul.f32 v44, v47;
	v44 =	vld [tilespmem:$0x1FE50];
	v27 =	vadd.s32 v17, v22  }
0xd5: {  	v47 =	vld [tilespmem:$0x1FF50];
	v17 =	vmul.f32 v21, v23;
	v21 =	vadd.s32 v8, v30;
	v11 =	vmul.f32 v11, v18;
	v18 =	vmovc v52  }
0xd6: {  	v4 =	vshrl.u32 v33, $0xC;
	[tilespmem:$0x1FE50] =	vst v18;
	v18 =	vshll.u32 v21, $0x6;
	v21 =	vld [tilespmem:$0x1FF00]  }
0xd7: {  	v42 =	vmov v35;
	[tilespmem:$0x1FE00] =	vst v4;
	v35 =	vld.idx.msk [tilespmem:v43+s10+$0x0], $0xffff  }
0xd8: {  	v8 =	vld.idx.msk [tilespmem:v8+s14+$0x0], $0xffff;
	[tilespmem:v63+s18+$0x0] =	vst.idx.msk $0xffff, v0  }
0xd9: {  	v62 =	vor.u32 v3, v1;
	[tilespmem:v59+s18+$0x0] =	vst.idx.msk $0xffff, v17;
	v17 =	vmul.f32 v45, v42;
	v45 =	vshrl.u32 v28, $0x14  }
0xda: {  	v38 =	vor.u32 v39, v2;
	v13 =	vld [tilespmem:$0x1FF10];
	[tilespmem:$0x1FF10] =	vst v45  }
0xdb: {  	v5 =	vor.u32 v15, v32;
	v41 =	vmul.f32 v61, v19;
	v0 =	vmov v38;
	[tilespmem:v29+s18+$0x0] =	vst.idx.msk $0xffff, v17  }
0xdc: {  	v17 =	vmul.f32 v25, v36;
	v38 =	vadd.s32 v54, v18;
	v45 =	vmovc v36;
	v36 =	vmul.f32 v35, v31  }
0xdd: {  	v16 =	vor.u32 v3, v2;
	[tilespmem:v47+s18+$0x0] =	vst.idx.msk $0xffff, v41;
	v52 =	vor.u32 v3, v38  }
0xde: {  	v21 =	vld.idx.msk [tilespmem:v21+s10+$0x0], $0xffff;
	[tilespmem:v62+s18+$0x0] =	vst.idx.msk $0xffff, v36;
	v36 =	vor.u32 v3, v27;
	v3 =	vand.u32 $0xF, v55  }
0xdf: {  	v60 =	vshrl.u32 v6, $0x4;
	v20 =	vand.u32 $0xF, v13;
	v13 =	vshrl.u32 v6, $0x8;
	[tilespmem:$0x1FF30] =	vst v3;
	v3 =	vld [tilespmem:$0x1FE70]  }
0xe0: {  	v57 =	vand.u32 $0xF, v58;
	[tilespmem:$0x1FED0] =	vst v13;
	v13 =	vshrl.u32 v58, $0x14;
	v30 =	vand.u32 $0xF, v60  }
0xe1: {  	v40 =	vmovc v23;
	v4 =	vshrl.u32 v58, $0xC;
	[tilespmem:$0x1FEE0] =	vst v13;
	v13 =	vshrl.u32 v58, $0x10;
	v63 =	vshrl.u32 v58, $0x18;
	v23 =	vmovc v58;
	v58 =	vld [tilespmem:$0x1FDA0]  }
0xe2: {  	v13 =	vand.u32 $0xF, v13;
	[tilespmem:$0x1FEC0] =	vst v0;
	v0 =	vld [tilespmem:$0x1FEF0]  }
0xe3: {  	v10 =	vmul.f32 v10, v26;
	[tilespmem:$0x1FF00] =	vst v13;
	v13 =	vld [tilespmem:$0x1FF20]  }
0xe4: {  	v20 =	vld.idx.msk [tilespmem:v20+s10+$0x0], $0xffff  }
0xe5: {  	v30 =	vld.idx.msk [tilespmem:v30+s10+$0x0], $0xffff;
	[tilespmem:v5+s18+$0x0] =	vst.idx.msk $0xffff, v10;
	v5 =	vmul.f32 v21, v19  }
0xe6: {  	v25 =	vand.u32 $0xF, v33;
	[tilespmem:v44+s18+$0x0] =	vst.idx.msk $0xffff, v11;
	v10 =	vld.idx.msk [tilespmem:v57+s10+$0x0], $0xffff  }
0xe7: {  	v22 =	vshrl.u32 v6, $0x14;
	[tilespmem:v3+s18+$0x0] =	vst.idx.msk $0xffff, v5;
	v3 =	vld [tilespmem:$0x1FDB0]  }
0xe8: {  	v53 =	vshrl.u32 v28, $0x4;
	v35 =	vld.idx.msk [tilespmem:v50+s14+$0x0], $0xffff;
	[tilespmem:v16+s18+$0x0] =	vst.idx.msk $0xffff, v17;
	v47 =	vand.u32 $0xF, v13;
	v13 =	vmov v22  }
0xe9: {  	v16 =	vand.u32 $0xF, v53;
	[tilespmem:$0x1FEF0] =	vst v13;
	v13 =	vld [tilespmem:$0x1FFA0]  }
0xea: {  	v17 =	vshrl.u32 v49, $0x1C;
	v9 =	vld.idx.msk [tilespmem:v9+s10+$0x0], $0xffff  }
0xeb: {  	v56 =	vor.u32 v34, v1;
	v22 =	vld.idx.msk [tilespmem:v25+s10+$0x0], $0xffff  }
0xec: {  	v0 =	vand.u32 $0xF, v0;
	v25 =	vld [tilespmem:$0x1FF60];
	v5 =	vshrl.u32 v3, $0x1C;
	v3 =	vmov v56  }
0xed: {  	v51 =	vshrl.u32 v33, $0x14;
	v61 =	vshrl.u32 v33, $0x10;
	[tilespmem:$0x1FE70] =	vst v3;
	v3 =	vld [tilespmem:$0x1FDC0]  }
0xee: {  	v29 =	vand.u32 $0xF, v6;
	v54 =	vor.u32 v39, v38;
	v39 =	vld.idx.msk [tilespmem:v16+s10+$0x0], $0xffff;
	v49 =	vor.u32 v13, v48  }
0xef: {  	v59 =	vshrl.u32 v6, $0x10;
	v18 =	vmovc v26;
	v26 =	vmovc v8;
	v62 =	vld.idx.msk [tilespmem:v17+s10+$0x0], $0xffff;
	v17 =	vand.u32 $0xF, v4;
	v4 =	vor.u32 v13, v1  }
0xf0: {  	v11 =	vshrl.u32 v28, $0x8;
	v60 =	vshrl.u32 v58, $0x18;
	v30 =	vmul.f32 v30, v26;
	[tilespmem:$0x1FF50] =	vst v4;
	v4 =	vld [tilespmem:$0x1FDD0]  }
0xf1: {  	v41 =	vmovc v40;
	v44 =	vand.u32 $0xF, v60;
	v20 =	vmul.f32 v20, v42;
	v0 =	vld.idx.msk [tilespmem:v0+s10+$0x0], $0xffff;
	v9 =	vmul.f32 v9, v40  }
0xf2: {  	[tilespmem:v52+s18+$0x0] =	vst.idx.msk $0xffff, v30;
	v52 =	vor.u32 v14, v32;
	v40 =	vand.u32 $0xF, v3;
	v3 =	vor.u32 v14, v48;
	v14 =	vld [tilespmem:$0x1FDF0]  }
0xf3: {  	v60 =	vand.u32 $0xF, v11;
	v29 =	vld.idx.msk [tilespmem:v29+s10+$0x0], $0xffff;
	v11 =	vor.u32 v13, v32;
	v21 =	vand.u32 $0xF, v12;
	[tilespmem:v49+s18+$0x0] =	vst.idx.msk $0xffff, v20  }
0xf4: {  	v37 =	vshrl.u32 v28, $0x10;
	v50 =	vshrl.u32 v28, $0x18;
	v58 =	vshrl.u32 v58, $0x1C;
	v20 =	vld.idx.msk [tilespmem:v47+s10+$0x0], $0xffff  }
0xf5: {  	v55 =	vand.u32 $0xF, v24;
	v25 =	vor.u32 v25, v1;
	[tilespmem:v7+s18+$0x0] =	vst.idx.msk $0xffff, v9;
	v9 =	vand.u32 $0xF, v4;
	v4 =	vmovc v37;
	v37 =	vld [tilespmem:$0x1FF60]  }
0xf6: {  	v43 =	vmovc v48;
	v8 =	vmul.f32 v22, v45;
	v24 =	vmul.f32 v0, v18;
	v47 =	vor.u32 v13, v2;
	v13 =	vld [tilespmem:$0x1FFB0]  }
0xf7: {  	v57 =	vand.u32 $0xF, v28;
	v30 =	vmovc v6;
	v7 =	vor.u32 v34, v32;
	v6 =	vld [tilespmem:$0x1FDE0];
	v12 =	vor.u32 v34, v48;
	v34 =	vmovc v59  }
0xf8: {  	s26 =	sadd.s32 $0x4, s26;
	v59 =	vor.u32 v15, v2;
	[tilespmem:v11+s18+$0x0] =	vst.idx.msk $0xffff, v24;
	v16 =	vld.idx.msk [tilespmem:v21+s10+$0x0], $0xffff;
	v21 =	vmul.f32 v62, v19  }
0xf9: {  	p1 =	slt.u32 s26, $0xCC;
	v10 =	vmul.f32 v10, v31;
	[tilespmem:$0x1FF20] =	vst v4;
	v4 =	vor.u32 v15, v1;
	v48 =	vmovc v28;
	v28 =	vmov v42  }
.Ltmp2:
0xfa: {  	v53 =	vshrl.u32 v33, $0x18;
	v62 =	vor.u32 v37, v2;
	v56 =	vmul.f32 v20, v28;
	[tilespmem:v14+s18+$0x0] =	vst.idx.msk $0xffff, v21;
	(pc) =	sbr.rel @p1 .LBB2_3-.Ltmp2, $4  }
0xfb: {  	v20 =	vor.u32 v13, v1;
	v1 =	vshrl.u32 v23, $0x8;
	v21 =	vmul.f32 v29, v26;
	v29 =	vld [tilespmem:$0x1FE00];
	[tilespmem:v25+s18+$0x0] =	vst.idx.msk $0xffff, v10  }
0xfc: {  	v32 =	vmovc v38;
	v25 =	vmul.f32 v39, v35;
	v10 =	vor.u32 v13, v2;
	v2 =	vand.u32 $0xF, v1;
	v1 =	vld.idx.msk [tilespmem:v40+s10+$0x0], $0xffff  }
0xfd: {  	v6 =	vshrl.u32 v6, $0x1C;
	v49 =	vmovc v23;
	v0 =	vor.u32 v13, v38;
	v11 =	vor.u32 v13, v27;
	v42 =	vmovc v18;
	v40 =	vld [tilespmem:$0x1FE10]  }
0xfe: {  	s30 =	sadd.s32 $0x8, s30;
	v22 =	vor.u32 v37, v38;
	v23 =	vmov v45;
	v24 =	vshrl.u32 v48, $0xC;
	v9 =	vld.idx.msk [tilespmem:v9+s10+$0x0], $0xffff;
	[tilespmem:v36+s18+$0x0] =	vst.idx.msk $0xffff, v25  }
0xff: {  	_ =	sdelay $0x3  }
0x100: {  	v25 =	vld.idx.msk [tilespmem:v57+s10+$0x0], $0xffff;
	_ =	sdelay $0x1  }
0x101: {  	v13 =	vmov v28;
	v28 =	vor.u32 v37, v27  }
0x102: {  	v24 =	vand.u32 $0xF, v24  }
0x103: {  	v29 =	vand.u32 $0xF, v29  }
0x104: {  	v25 =	vmul.f32 v25, v35;
	_ =	sdelay $0x1  }
0x105: {  	v17 =	vld.idx.msk [tilespmem:v17+s10+$0x0], $0xffff;
	[tilespmem:v28+s18+$0x0] =	vst.idx.msk $0xffff, v25  }
0x106: {  	[tilespmem:v62+s18+$0x0] =	vst.idx.msk $0xffff, v8;
	v8 =	vld.idx.msk [tilespmem:v24+s10+$0x0], $0xffff  }
0x107: {  	[tilespmem:v22+s18+$0x0] =	vst.idx.msk $0xffff, v21;
	v21 =	vld.idx.msk [tilespmem:v29+s10+$0x0], $0xffff  }
0x108: {  	v22 =	vld.idx.msk [tilespmem:v46+s10+$0x0], $0xffff;
	_ =	sdelay $0x1  }
0x109: {  	v17 =	vmul.f32 v17, v31;
	v14 =	vld [tilespmem:$0x1FED0]  }
0x10a: {  	v8 =	vmul.f32 v8, v35  }
0x10b: {  	[tilespmem:v20+s18+$0x0] =	vst.idx.msk $0xffff, v17;
	v17 =	vmul.f32 v21, v23  }
0x10c: {  	v24 =	vand.u32 $0xF, v40;
	[tilespmem:v11+s18+$0x0] =	vst.idx.msk $0xffff, v8;
	v8 =	vmul.f32 v22, v26  }
0x10d: {  	[tilespmem:v10+s18+$0x0] =	vst.idx.msk $0xffff, v17  }
0x10e: {  	v2 =	vld.idx.msk [tilespmem:v2+s10+$0x0], $0xffff;
	v25 =	vand.u32 $0xF, v14;
	[tilespmem:v0+s18+$0x0] =	vst.idx.msk $0xffff, v8  }
0x10f: {  	v38 =	vld [tilespmem:$0x1FF90];
	_ =	sdelay $0x1  }
0x110: {  	v11 =	vld.idx.msk [tilespmem:v24+s10+$0x0], $0xffff  }
0x111: {  	v10 =	vld.idx.msk [tilespmem:v60+s10+$0x0], $0xffff  }
0x112: {  	v17 =	vld.idx.msk [tilespmem:v25+s10+$0x0], $0xffff  }
0x113: {  	v2 =	vmul.f32 v2, v31;
	v0 =	vld [tilespmem:$0x1FEE0];
	v8 =	vor.u32 v38, v27  }
0x114: {  	v15 =	vld [tilespmem:$0x1FF10];
	v22 =	vor.u32 v38, v32  }
0x115: {  	v14 =	vld [tilespmem:$0x1FEF0];
	[tilespmem:v4+s18+$0x0] =	vst.idx.msk $0xffff, v2;
	v2 =	vmul.f32 v11, v23  }
0x116: {  	v10 =	vmul.f32 v10, v35  }
0x117: {  	[tilespmem:v59+s18+$0x0] =	vst.idx.msk $0xffff, v2;
	v4 =	vmul.f32 v17, v26  }
0x118: {  	v0 =	vand.u32 $0xF, v0;
	[tilespmem:v8+s18+$0x0] =	vst.idx.msk $0xffff, v10  }
0x119: {  	v20 =	vand.u32 $0xF, v15;
	[tilespmem:v22+s18+$0x0] =	vst.idx.msk $0xffff, v4  }
0x11a: {  	v21 =	vand.u32 $0xF, v51;
	v36 =	vld [tilespmem:$0x1FFA0]  }
0x11b: {  	v24 =	vand.u32 $0xF, v14;
	v11 =	vld [tilespmem:$0x1FF20];
	[tilespmem:v12+s18+$0x0] =	vst.idx.msk $0xffff, v56  }
0x11c: {  	v14 =	vld [tilespmem:$0x1FF50]  }
0x11d: {  	v0 =	vld.idx.msk [tilespmem:v0+s10+$0x0], $0xffff  }
0x11e: {  	v2 =	vld.idx.msk [tilespmem:v20+s10+$0x0], $0xffff  }
0x11f: {  	v8 =	vld.idx.msk [tilespmem:v21+s10+$0x0], $0xffff  }
0x120: {  	v10 =	vld.idx.msk [tilespmem:v24+s10+$0x0], $0xffff;
	v4 =	vor.u32 v36, v27;
	_ =	sdelay $0x1  }
0x121: {  	v0 =	vmul.f32 v0, v31;
	v20 =	vor.u32 v36, v32  }
0x122: {  	v2 =	vmul.f32 v2, v35  }
0x123: {  	[tilespmem:v14+s18+$0x0] =	vst.idx.msk $0xffff, v0;
	v0 =	vmul.f32 v8, v23  }
0x124: {  	v8 =	vld [tilespmem:$0x1FF00];
	[tilespmem:v4+s18+$0x0] =	vst.idx.msk $0xffff, v2;
	v2 =	vmul.f32 v10, v26  }
0x125: {  	[tilespmem:v47+s18+$0x0] =	vst.idx.msk $0xffff, v0  }
0x126: {  	[tilespmem:v20+s18+$0x0] =	vst.idx.msk $0xffff, v2  }
0x127: {  	v14 =	vld [tilespmem:$0x1FE30];
	_ =	sdelay $0x2  }
0x128: {  	v5 =	vld.idx.msk [tilespmem:v5+s10+$0x0], $0xffff;
	_ =	sdelay $0x1  }
0x129: {  	v11 =	vand.u32 $0xF, v11  }
0x12a: {  	v0 =	vmul.f32 v16, v41  }
0x12b: {  	v1 =	vmul.f32 v1, v42  }
0x12c: {  	v62 =	vld [tilespmem:$0x1FF80];
	[tilespmem:v14+s18+$0x0] =	vst.idx.msk $0xffff, v0;
	v0 =	vmul.f32 v5, v13  }
0x12d: {  	[tilespmem:v7+s18+$0x0] =	vst.idx.msk $0xffff, v1  }
0x12e: {  	v17 =	vand.u32 $0xF, v61;
	v4 =	vld.idx.msk [tilespmem:v11+s10+$0x0], $0xffff;
	[tilespmem:v3+s18+$0x0] =	vst.idx.msk $0xffff, v0  }
0x12f: {  	v14 =	vld [tilespmem:$0x1FE70]  }
0x130: {  	v8 =	vld.idx.msk [tilespmem:v8+s10+$0x0], $0xffff  }
0x131: {  	v11 =	vor.u32 v62, v27  }
0x132: {  	v12 =	vand.u32 $0xF, v34  }
0x133: {  	v10 =	vld.idx.msk [tilespmem:v17+s10+$0x0], $0xffff  }
0x134: {  	v3 =	vmul.f32 v4, v35  }
0x135: {  	v1 =	vmul.f32 v8, v31  }
0x136: {  	[tilespmem:v11+s18+$0x0] =	vst.idx.msk $0xffff, v3  }
0x137: {  	v12 =	vld.idx.msk [tilespmem:v12+s10+$0x0], $0xffff;
	[tilespmem:v14+s18+$0x0] =	vst.idx.msk $0xffff, v1  }
0x138: {  	v1 =	vmul.f32 v10, v23;
	v10 =	vld [tilespmem:$0x1FEA0];
	_ =	sdelay $0x1  }
0x139: {  	v7 =	vor.u32 v62, v32;
	_ =	sdelay $0x2  }
0x13a: {  	v3 =	vmul.f32 v12, v26;
	_ =	sdelay $0x1  }
0x13b: {  	[tilespmem:v7+s18+$0x0] =	vst.idx.msk $0xffff, v3  }
0x13c: {  	v4 =	vld.idx.msk [tilespmem:v58+s10+$0x0], $0xffff;
	[tilespmem:v10+s18+$0x0] =	vst.idx.msk $0xffff, v1  }
0x13d: {  	v12 =	vld [tilespmem:$0x1FE40]  }
0x13e: {  	v6 =	vld.idx.msk [tilespmem:v6+s10+$0x0], $0xffff;
	_ =	sdelay $0x3  }
0x13f: {  	v2 =	vshrl.u32 v49, $0x1C;
	v4 =	vmul.f32 v4, v42  }
0x140: {  	v5 =	vshrl.u32 v48, $0x1C;
	v3 =	vmul.f32 v6, v41  }
0x141: {  	v40 =	vld [tilespmem:$0x1FF70];
	[tilespmem:v52+s18+$0x0] =	vst.idx.msk $0xffff, v4  }
0x142: {  	[tilespmem:v12+s18+$0x0] =	vst.idx.msk $0xffff, v3  }
0x143: {  	v15 =	vld [tilespmem:$0x1FE80]  }
0x144: {  	v2 =	vld.idx.msk [tilespmem:v2+s10+$0x0], $0xffff  }
0x145: {  	v5 =	vld.idx.msk [tilespmem:v5+s10+$0x0], $0xffff;
	_ =	sdelay $0x1  }
0x146: {  	v7 =	vand.u32 $0xF, v63;
	v6 =	vor.u32 v40, v27;
	_ =	sdelay $0x1  }
0x147: {  	v8 =	vshrl.u32 v33, $0x1C;
	v2 =	vmul.f32 v2, v31  }
0x148: {  	v0 =	vshrl.u32 v30, $0x1C;
	v5 =	vmul.f32 v5, v35;
	v4 =	vld [tilespmem:$0x1FF30]  }
0x149: {  	v61 =	vld [tilespmem:$0x1FFC0];
	[tilespmem:v15+s18+$0x0] =	vst.idx.msk $0xffff, v2  }
0x14a: {  	[tilespmem:v6+s18+$0x0] =	vst.idx.msk $0xffff, v5;
	v2 =	vld.idx.msk [tilespmem:v7+s10+$0x0], $0xffff  }
0x14b: {  	v7 =	vld [tilespmem:$0x1FEB0]  }
0x14c: {  	v1 =	vld.idx.msk [tilespmem:v8+s10+$0x0], $0xffff  }
0x14d: {  	v0 =	vld.idx.msk [tilespmem:v0+s10+$0x0], $0xffff;
	_ =	sdelay $0x1  }
0x14e: {  	v3 =	vand.u32 $0xF, v53;
	v12 =	vor.u32 v40, v32;
	_ =	sdelay $0x1  }
0x14f: {  	v1 =	vmul.f32 v1, v23  }
0x150: {  	v0 =	vmul.f32 v0, v26  }
0x151: {  	v8 =	vld.idx.msk [tilespmem:v55+s10+$0x0], $0xffff;
	[tilespmem:v7+s18+$0x0] =	vst.idx.msk $0xffff, v1  }
0x152: {  	[tilespmem:v12+s18+$0x0] =	vst.idx.msk $0xffff, v0;
	v0 =	vld.idx.msk [tilespmem:v3+s10+$0x0], $0xffff  }
0x153: {  	v3 =	vld [tilespmem:$0x1FE20];
	_ =	sdelay $0x1  }
0x154: {  	v14 =	vor.u32 v61, v43;
	_ =	sdelay $0x2  }
0x155: {  	v1 =	vmul.f32 v8, v13  }
0x156: {  	v5 =	vmul.f32 v9, v19  }
0x157: {  	[tilespmem:v14+s18+$0x0] =	vst.idx.msk $0xffff, v1  }
0x158: {  	[tilespmem:v3+s18+$0x0] =	vst.idx.msk $0xffff, v5  }
0x159: {  	v7 =	vld [tilespmem:$0x1FE50]  }
0x15a: {  	v4 =	vld.idx.msk [tilespmem:v4+s10+$0x0], $0xffff;
	_ =	sdelay $0x4  }
0x15b: {  	v3 =	vmul.f32 v4, v41;
	_ =	sdelay $0x1  }
0x15c: {  	[tilespmem:v7+s18+$0x0] =	vst.idx.msk $0xffff, v3  }
0x15d: {  	v3 =	vld [tilespmem:$0x1FE60]  }
0x15e: {  	v16 =	vld.idx.msk [tilespmem:v44+s10+$0x0], $0xffff;
	_ =	sdelay $0x1  }
0x15f: {  	v11 =	vand.u32 $0xF, v50;
	_ =	sdelay $0x2  }
0x160: {  	v1 =	vmul.f32 v16, v42;
	_ =	sdelay $0x1  }
0x161: {  	v6 =	vld.idx.msk [tilespmem:v11+s10+$0x0], $0xffff;
	[tilespmem:v3+s18+$0x0] =	vst.idx.msk $0xffff, v1  }
0x162: {  	v3 =	vld [tilespmem:$0x1FE90];
	_ =	sdelay $0x1  }
0x163: {  	v10 =	vshrl.u32 v30, $0x18;
	v5 =	vor.u32 v61, v27  }
0x164: {  	v10 =	vand.u32 $0xF, v10;
	_ =	sdelay $0x1  }
0x165: {  	v1 =	vmul.f32 v6, v35  }
0x166: {  	v2 =	vmul.f32 v2, v31  }
0x167: {  	[tilespmem:v5+s18+$0x0] =	vst.idx.msk $0xffff, v1  }
0x168: {  	v4 =	vld.idx.msk [tilespmem:v10+s10+$0x0], $0xffff;
	[tilespmem:v3+s18+$0x0] =	vst.idx.msk $0xffff, v2  }
0x169: {  	v2 =	vld [tilespmem:$0x1FEC0];
	_ =	sdelay $0x3  }
0x16a: {  	s26 =	sshll.u32 s23, $0x5  }
0x16b: {  	s0 =	sadd.s32 s8, s26;
	v1 =	vmul.f32 v4, v26  }
0x16c: {  	s0 =	smul.u32 $0xD0, s0;
	v0 =	vmul.f32 v0, v23  }
0x16d: {  	p1 =	seq.s32 s23, $0xF;
	[tilespmem:v54+s18+$0x0] =	vst.idx.msk $0xffff, v1  }
0x16e: {  	s7 =	smul.u32 @!p1 $0xD00, s23;
	s0 =	sadd.s32 s4, s0;
	[tilespmem:v2+s18+$0x0] =	vst.idx.msk $0xffff, v0  }
0x16f: {  	[hbm4b:s0+s5] =	stream.linear.scatter [tilespmem:s18], [sflag:$0x3], $0x6800, $0x38;
	[tilespmem:$0x19410] =	vst v63  }
0x170: {  	s0 =	sshra.s32 @!p1 s7, $0x2  }
0x171: {  	s9 =	simm.s32 @!p1 $0x68;
	s30 =	simm.s32 @!p1 $0x3400;
	s7 =	sadd.s32 @!p1 $0x340, s0  }
0x172: {  	[tilespmem:s30], [sflag:$0x1] =	stream.indirect.gather @!p1 [hbm4b:s6+s9], $0x8, s7, s9, $0xb8;
	[tilespmem:$0x19410] =	vst v63  }
0x173: {  	s30 =	simm.s32 @!p1 $0xB400  }
0x174: {  	[tilespmem:s30], [sflag:$0x1] =	stream.indirect.gather @!p1 [hbm4b:s1+s9], $0x1, s7, s9, $0xb8;
	[tilespmem:$0x19410] =	vst v63  }
0x175: {  	s7 =	sadd.s32 @!p1 $0x3A8, s0;
	s30 =	simm.s32 @!p1 $0x3740  }
0x176: {  	[tilespmem:s30], [sflag:$0x1] =	stream.indirect.gather @!p1 [hbm4b:s6+s9], $0x8, s7, s9, $0xb8;
	[tilespmem:$0x19410] =	vst v63  }
0x177: {  	s30 =	simm.s32 @!p1 $0xB468  }
0x178: {  	[tilespmem:s30], [sflag:$0x1] =	stream.indirect.gather @!p1 [hbm4b:s1+s9], $0x1, s7, s9, $0xb8;
	[tilespmem:$0x19410] =	vst v63  }
0x179: {  	s7 =	sadd.s32 @!p1 $0x410, s0;
	s30 =	simm.s32 @!p1 $0x3A80  }
0x17a: {  	[tilespmem:s30], [sflag:$0x1] =	stream.indirect.gather @!p1 [hbm4b:s6+s9], $0x8, s7, s9, $0xb8;
	[tilespmem:$0x19410] =	vst v63  }
0x17b: {  	s30 =	simm.s32 @!p1 $0xB4D0  }
0x17c: {  	[tilespmem:s30], [sflag:$0x1] =	stream.indirect.gather @!p1 [hbm4b:s1+s9], $0x1, s7, s9, $0xb8;
	[tilespmem:$0x19410] =	vst v63  }
0x17d: {  	s0 =	sadd.s32 @!p1 $0x478, s0;
	s7 =	simm.s32 @!p1 $0x3DC0  }
0x17e: {  	[tilespmem:s7], [sflag:$0x1] =	stream.indirect.gather @!p1 [hbm4b:s6+s9], $0x8, s0, s9, $0xb8;
	[tilespmem:$0x19410] =	vst v63  }
0x17f: {  	s7 =	simm.s32 @!p1 $0xB538  }
0x180: {  	[tilespmem:s7], [sflag:$0x1] =	stream.indirect.gather @!p1 [hbm4b:s1+s9], $0x1, s0, s9, $0xb8;
	[tilespmem:$0x19410] =	vst v63  }
0x181: {  	_ =	swait.ge [sflag:s19], $0x4000  }
0x182: {  	[sflag:s19] =	ssyncset.done $0x0  }
0x183: {  	v55 =	vld [tilespmem:$0x1FFD0];
	[sflag:s19] =	ssyncadd.s32 $0xFFFFC000  }
0x184: {  	_ =	swait.ge [sflag:s19], $0x800  }
0x185: {  	v57 =	vld [tilespmem:$0x1FFE0];
	_ =	sdelay $0x1  }
0x186: {  	s9 =	simm.s32 $0x0  }
0x187: {  	s22 =	simm.s32 $0x4;
	v1 =	vor.u32 s9, v55  }
0x188: {  	v2 =	vor.u32 s22, v55;
	v0 =	vshll.u32 v1, $0x3  }
0x189: {  	[sflag:s19] =	ssyncset.done $0x0;
	v4 =	vmul.u32 $0x9D9, v2;
	v0 =	vor.u32 v57, v0  }
0x18a: {  	s7 =	simm.s32 @!p0 $0x4;
	[sflag:s19] =	ssyncadd.s32 $0xFFFFF800;
	s9 =	simm.s32 $0x2;
	v3 =	vshll.u32 v2, $0x3;
	v6 =	vmul.u32 $0x9D9, v1  }
0x18b: {  	_ =	swait.ge @!p0 [sflag:s7], $0x6800;
	v5 =	vor.u32 s9, v55;
	v3 =	vor.u32 v57, v3;
	v4 =	vshrl.u32 v4, $0x10  }
0x18c: {  	[sflag:s7] =	ssyncset.done @!p0 $0x0;
	v7 =	vshll.u32 v5, $0x3;
	v6 =	vshrl.u32 v6, $0x10;
	v8 =	vmul.u32 $0x3FFFFE6, v4  }
0x18d: {  	[sflag:s7] =	ssyncadd.s32 @!p0 $0xFFFF9800;
	v7 =	vor.u32 v57, v7;
	v9 =	vmul.u32 $0x3FFFFE6, v6  }
0x18e: {  	v4 =	vmul.u32 $0x680, v4;
	v8 =	vadd.s32 v2, v8;
	v49 =	vld.idx.msk [tilespmem:v0+s24+$0x0], $0xffff;
	v0 =	vmul.u32 $0x9D9, v5  }
0x18f: {  	v9 =	vadd.s32 v1, v9;
	v8 =	vshll.u32 v8, $0x6  }
0x190: {  	v11 =	vadd.s32 v4, v8;
	v10 =	vshrl.u32 v0, $0x10;
	v0 =	vld.idx.msk [tilespmem:v3+s24+$0x0], $0xffff;
	v3 =	vmul.u32 $0x680, v6  }
0x191: {  	s22 =	simm.s32 $0x6;
	v8 =	vor.u32 v40, v11;
	v6 =	vshll.u32 v9, $0x6  }
0x192: {  	v39 =	vld.idx.msk [tilespmem:v7+s24+$0x0], $0xffff;
	v4 =	vor.u32 s22, v55;
	[tilespmem:$0x1FD70] =	vst v8;
	v9 =	vor.u32 v61, v11;
	v12 =	vadd.s32 v3, v6  }
0x193: {  	v8 =	vshll.u32 v4, $0x3;
	[tilespmem:$0x1FC40] =	vst v9;
	v13 =	vor.u32 v62, v12  }
0x194: {  	v60 =	vld [tilespmem:$0x1FFF0];
	v3 =	vor.u32 v57, v8;
	v7 =	vshrl.u32 v49, $0x4;
	[tilespmem:$0x1FC50] =	vst v13;
	v13 =	vor.u32 v40, v12  }
0x195: {  	v7 =	vand.u32 $0xF, v7;
	v9 =	vshrl.u32 v0, $0x4;
	[tilespmem:$0x1FC60] =	vst v13;
	v13 =	vor.u32 v61, v12  }
0x196: {  	v14 =	vmul.u32 $0x9D9, v4;
	v9 =	vand.u32 $0xF, v9;
	[tilespmem:$0x1FC70] =	vst v13  }
0x197: {  	v58 =	vld.idx.msk [tilespmem:v1+s25+$0x0], $0xffff;
	v1 =	vshrl.u32 v39, $0x4  }
0x198: {  	v14 =	vshrl.u32 v14, $0x10;
	v19 =	vld.idx.msk [tilespmem:v2+s25+$0x0], $0xffff;
	v15 =	vand.u32 $0xF, v1  }
0x199: {  	v22 =	vor.u32 v60, v11;
	v18 =	vmul.u32 $0x3FFFFE6, v14;
	v1 =	vld.idx.msk [tilespmem:v3+s24+$0x0], $0xffff  }
0x19a: {  	v6 =	vmul.u32 $0x3FFFFE6, v10;
	v10 =	vmul.u32 $0x680, v10;
	v8 =	vor.u32 v60, v12;
	v7 =	vld.idx.msk [tilespmem:v7+s10+$0x0], $0xffff  }
0x19b: {  	v23 =	vand.u32 $0xF, v49;
	v2 =	vmul.u32 $0x680, v14;
	v3 =	vadd.s32 v4, v18;
	v9 =	vld.idx.msk [tilespmem:v9+s10+$0x0], $0xffff  }
0x19c: {  	v6 =	vadd.s32 v5, v6;
	v14 =	vshrl.u32 v39, $0xC;
	v59 =	vld.idx.msk [tilespmem:v5+s25+$0x0], $0xffff;
	v3 =	vshll.u32 v3, $0x6  }
0x19d: {  	v24 =	vand.u32 $0xF, v14;
	v14 =	vadd.s32 v2, v3;
	v2 =	vshll.u32 v6, $0x6;
	v5 =	vld.idx.msk [tilespmem:v15+s10+$0x0], $0xffff  }
0x19e: {  	v16 =	vand.u32 $0xF, v0;
	v2 =	vadd.s32 v10, v2  }
0x19f: {  	v3 =	vmul.f32 v7, v58;
	v7 =	vor.u32 v60, v2  }
0x1a0: {  	v9 =	vmul.f32 v9, v19  }
0x1a1: {  	v56 =	vld.idx.msk [tilespmem:v4+s25+$0x0], $0xffff;
	v4 =	vor.u32 v61, v2;
	v6 =	vshrl.u32 v1, $0x4;
	[tilespmem:v8+s21+$0x0] =	vst.idx.msk $0xffff, v3  }
0x1a2: {  	v6 =	vand.u32 $0xF, v6;
	v23 =	vld.idx.msk [tilespmem:v23+s10+$0x0], $0xffff;
	[tilespmem:v22+s21+$0x0] =	vst.idx.msk $0xffff, v9;
	v5 =	vmul.f32 v5, v59  }
0x1a3: {  	v30 =	vld.idx.msk [tilespmem:v16+s10+$0x0], $0xffff;
	[tilespmem:$0x1FC80] =	vst v4  }
0x1a4: {  	[tilespmem:v7+s21+$0x0] =	vst.idx.msk $0xffff, v5  }
0x1a5: {  	v13 =	vld [tilespmem:$0x1FF60]  }
0x1a6: {  	s9 =	simm.s32 $0xA;
	s7 =	simm.s32 $0x8  }
0x1a7: {  	v43 =	vor.u32 s9, v55;
	v32 =	vor.u32 s7, v55;
	v31 =	vld.idx.msk [tilespmem:v6+s10+$0x0], $0xffff  }
0x1a8: {  	v46 =	vor.u32 v37, v11;
	v25 =	vand.u32 $0xF, v39;
	v20 =	vshrl.u32 v0, $0xC  }
0x1a9: {  	v52 =	vshll.u32 v32, $0x3;
	v20 =	vand.u32 $0xF, v20;
	v47 =	vor.u32 v60, v14  }
0x1aa: {  	v54 =	vshll.u32 v43, $0x3;
	v33 =	vor.u32 v57, v52;
	v37 =	vor.u32 v13, v12;
	v13 =	vld [tilespmem:$0x1FF60]  }
0x1ab: {  	v52 =	vmul.u32 $0x9D9, v32;
	v44 =	vor.u32 v62, v11;
	v15 =	vld [tilespmem:$0x1FFB0];
	v30 =	vmul.f32 v30, v19  }
0x1ac: {  	s22 =	simm.s32 $0xC;
	v35 =	vor.u32 v36, v11;
	v29 =	vshrl.u32 v1, $0x8;
	v31 =	vmul.f32 v31, v56  }
0x1ad: {  	v45 =	vor.u32 s22, v55;
	v34 =	vand.u32 $0xF, v29;
	v29 =	vand.u32 $0xF, v1;
	v25 =	vld.idx.msk [tilespmem:v25+s10+$0x0], $0xffff;
	[tilespmem:v46+s21+$0x0] =	vst.idx.msk $0xffff, v30  }
0x1ae: {  	v48 =	vshll.u32 v45, $0x3;
	v17 =	vshrl.u32 v49, $0xC;
	v28 =	vshrl.u32 v49, $0x14;
	[tilespmem:v47+s21+$0x0] =	vst.idx.msk $0xffff, v31;
	v20 =	vld.idx.msk [tilespmem:v20+s10+$0x0], $0xffff  }
0x1af: {  	v17 =	vand.u32 $0xF, v17;
	v16 =	vor.u32 v38, v12;
	v5 =	vmovc v38;
	v38 =	vor.u32 v13, v2;
	v13 =	vld [tilespmem:$0x1FF60]  }
0x1b0: {  	v6 =	vor.u32 v36, v12;
	v50 =	vor.u32 v5, v11;
	v11 =	vor.u32 v15, v11  }
0x1b1: {  	v41 =	vor.u32 v15, v12;
	v12 =	vshrl.u32 v0, $0x8;
	v47 =	vmul.u32 $0x9D9, v45  }
0x1b2: {  	v23 =	vmul.f32 v23, v58;
	v25 =	vmul.f32 v25, v59;
	v12 =	vand.u32 $0xF, v12;
	v29 =	vld.idx.msk [tilespmem:v29+s10+$0x0], $0xffff  }
0x1b3: {  	v31 =	vshrl.u32 v1, $0xC;
	v47 =	vshrl.u32 v47, $0x10;
	v20 =	vmul.f32 v20, v19  }
0x1b4: {  	[tilespmem:v37+s21+$0x0] =	vst.idx.msk $0xffff, v23;
	v23 =	vor.u32 v57, v48;
	v48 =	vmul.u32 $0x3FFFFE6, v47;
	v30 =	vor.u32 v13, v14  }
0x1b5: {  	v46 =	vor.u32 v57, v54;
	v54 =	vand.u32 $0xF, v28;
	v31 =	vand.u32 $0xF, v31;
	[tilespmem:v11+s21+$0x0] =	vst.idx.msk $0xffff, v20  }
0x1b6: {  	v17 =	vld.idx.msk [tilespmem:v17+s10+$0x0], $0xffff;
	v37 =	vadd.s32 v45, v48;
	[tilespmem:v38+s21+$0x0] =	vst.idx.msk $0xffff, v25;
	v25 =	vshrl.u32 v52, $0x10;
	v52 =	vmul.u32 $0x680, v47  }
0x1b7: {  	v29 =	vmul.f32 v29, v56;
	v11 =	vshll.u32 v37, $0x6;
	v37 =	vld.idx.msk [tilespmem:v12+s10+$0x0], $0xffff;
	v28 =	vmul.u32 $0x3FFFFE6, v25  }
0x1b8: {  	v24 =	vld.idx.msk [tilespmem:v24+s10+$0x0], $0xffff;
	v11 =	vadd.s32 v52, v11  }
0x1b9: {  	v25 =	vmul.u32 $0x680, v25;
	v12 =	vadd.s32 v32, v28;
	v13 =	vor.u32 v62, v11;
	[tilespmem:v30+s21+$0x0] =	vst.idx.msk $0xffff, v29  }
0x1ba: {  	v12 =	vshll.u32 v12, $0x6;
	v20 =	vld.idx.msk [tilespmem:v31+s10+$0x0], $0xffff;
	[tilespmem:$0x1FC90] =	vst v13;
	v13 =	vor.u32 v40, v11  }
0x1bb: {  	v51 =	vmul.u32 $0x9D9, v43;
	s22 =	simm.s32 $0xE;
	v12 =	vadd.s32 v25, v12;
	v33 =	vld.idx.msk [tilespmem:v33+s24+$0x0], $0xffff;
	[tilespmem:$0x1FCA0] =	vst v13;
	v13 =	vor.u32 v61, v11  }
0x1bc: {  	v55 =	vor.u32 s22, v55;
	v21 =	vshrl.u32 v49, $0x8;
	[tilespmem:$0x1FCB0] =	vst v13;
	v13 =	vor.u32 v62, v12  }
0x1bd: {  	v21 =	vand.u32 $0xF, v21;
	v42 =	vor.u32 v15, v14;
	v25 =	vld.idx.msk [tilespmem:v23+s24+$0x0], $0xffff;
	[tilespmem:$0x1FCC0] =	vst v13;
	v13 =	vor.u32 v40, v12  }
0x1be: {  	v27 =	vshrl.u32 v0, $0x14;
	v17 =	vmul.f32 v17, v58;
	[tilespmem:$0x1FCD0] =	vst v13;
	v13 =	vor.u32 v61, v12  }
0x1bf: {  	v30 =	vshrl.u32 v51, $0x10;
	v23 =	vand.u32 $0xF, v27;
	v27 =	vmul.f32 v37, v19;
	[tilespmem:$0x1FCE0] =	vst v13  }
0x1c0: {  	v26 =	vshrl.u32 v39, $0x8;
	v38 =	vmul.u32 $0x3FFFFE6, v30;
	v20 =	vmul.f32 v20, v56;
	[tilespmem:v41+s21+$0x0] =	vst.idx.msk $0xffff, v17  }
0x1c1: {  	v37 =	vmul.u32 $0x680, v30;
	v48 =	vld.idx.msk [tilespmem:v46+s24+$0x0], $0xffff;
	v30 =	vshrl.u32 v33, $0x4;
	v46 =	vmul.u32 $0x9D9, v55;
	[tilespmem:v50+s21+$0x0] =	vst.idx.msk $0xffff, v27  }
0x1c2: {  	v13 =	vshrl.u32 v33, $0xC;
	[tilespmem:v42+s21+$0x0] =	vst.idx.msk $0xffff, v20;
	v20 =	vand.u32 $0xF, v26;
	v26 =	vand.u32 $0xF, v30;
	v21 =	vld.idx.msk [tilespmem:v21+s10+$0x0], $0xffff  }
0x1c3: {  	v18 =	vor.u32 v15, v2;
	v30 =	vld.idx.msk [tilespmem:v34+s10+$0x0], $0xffff;
	v34 =	vshll.u32 v55, $0x3;
	[tilespmem:$0x1FCF0] =	vst v13  }
0x1c4: {  	v10 =	vshrl.u32 v0, $0x10;
	v27 =	vor.u32 v57, v34;
	v34 =	vshrl.u32 v46, $0x10;
	v41 =	vld.idx.msk [tilespmem:v23+s10+$0x0], $0xffff  }
0x1c5: {  	v10 =	vand.u32 $0xF, v10;
	v17 =	vor.u32 v5, v14;
	v13 =	vld.idx.msk [tilespmem:v32+s25+$0x0], $0xffff;
	v32 =	vmul.u32 $0x3FFFFE6, v34  }
0x1c6: {  	v24 =	vmul.f32 v24, v59;
	v29 =	vshrl.u32 v33, $0x8;
	v51 =	vshrl.u32 v25, $0x4  }
0x1c7: {  	v22 =	vshrl.u32 v1, $0x14;
	v28 =	vmovc v56;
	v51 =	vand.u32 $0xF, v51;
	v26 =	vld.idx.msk [tilespmem:v26+s10+$0x0], $0xffff;
	[tilespmem:$0x1FD00] =	vst v29;
	v32 =	vadd.s32 v55, v32  }
0x1c8: {  	v22 =	vand.u32 $0xF, v22;
	v46 =	vmul.f32 v30, v28;
	[tilespmem:v18+s21+$0x0] =	vst.idx.msk $0xffff, v24;
	v30 =	vld.idx.msk [tilespmem:v45+s25+$0x0], $0xffff;
	v24 =	vmul.u32 $0x680, v34  }
0x1c9: {  	v23 =	vmovc v58;
	v58 =	vshrl.u32 v48, $0x4;
	v32 =	vshll.u32 v32, $0x6;
	v18 =	vshrl.u32 v48, $0x8;
	v29 =	vld.idx.msk [tilespmem:v27+s24+$0x0], $0xffff  }
0x1ca: {  	[tilespmem:v17+s21+$0x0] =	vst.idx.msk $0xffff, v46;
	v27 =	vadd.s32 v24, v32;
	v24 =	vand.u32 $0xF, v58;
	v58 =	vmul.f32 v41, v19  }
0x1cb: {  	v20 =	vld.idx.msk [tilespmem:v20+s10+$0x0], $0xffff;
	[tilespmem:$0x1FD10] =	vst v18  }
0x1cc: {  	v52 =	vor.u32 v60, v12;
	v18 =	vshrl.u32 v48, $0x14;
	v45 =	vld.idx.msk [tilespmem:v51+s10+$0x0], $0xffff;
	[tilespmem:v35+s21+$0x0] =	vst.idx.msk $0xffff, v58  }
0x1cd: {  	v47 =	vor.u32 v5, v2;
	[tilespmem:$0x1FD20] =	vst v18  }
0x1ce: {  	v21 =	vmul.f32 v21, v23;
	v17 =	vor.u32 v60, v11;
	v22 =	vld.idx.msk [tilespmem:v22+s10+$0x0], $0xffff  }
0x1cf: {  	v8 =	vshrl.u32 v39, $0x14;
	v32 =	vmul.f32 v26, v13;
	v58 =	vand.u32 $0xF, v33;
	v10 =	vld.idx.msk [tilespmem:v10+s10+$0x0], $0xffff  }
0x1d0: {  	v8 =	vand.u32 $0xF, v8;
	[tilespmem:v16+s21+$0x0] =	vst.idx.msk $0xffff, v21;
	v26 =	vld.idx.msk [tilespmem:v43+s25+$0x0], $0xffff;
	v16 =	vmul.f32 v20, v59  }
0x1d1: {  	v38 =	vadd.s32 v43, v38;
	[tilespmem:v52+s21+$0x0] =	vst.idx.msk $0xffff, v32;
	v35 =	vld.idx.msk [tilespmem:v55+s25+$0x0], $0xffff;
	v43 =	vmul.f32 v45, v30  }
0x1d2: {  	v63 =	vshrl.u32 v0, $0x18;
	v9 =	vshrl.u32 v1, $0x10;
	v20 =	vshrl.u32 v25, $0x10;
	v24 =	vld.idx.msk [tilespmem:v24+s10+$0x0], $0xffff;
	[tilespmem:v47+s21+$0x0] =	vst.idx.msk $0xffff, v16  }
0x1d3: {  	v0 =	vshrl.u32 v0, $0x1C;
	v56 =	vand.u32 $0xF, v25;
	v52 =	vld.idx.msk [tilespmem:v54+s10+$0x0], $0xffff;
	[tilespmem:v17+s21+$0x0] =	vst.idx.msk $0xffff, v43;
	v17 =	vand.u32 $0xF, v20  }
0x1d4: {  	v38 =	vshll.u32 v38, $0x6;
	v50 =	vshrl.u32 v48, $0xC;
	v54 =	vld.idx.msk [tilespmem:v58+s10+$0x0], $0xffff;
	v10 =	vmul.f32 v10, v19;
	[tilespmem:$0x1FD30] =	vst v17  }
0x1d5: {  	v46 =	vand.u32 $0xF, v50;
	v50 =	vor.u32 v36, v14;
	v20 =	vld.idx.msk [tilespmem:v8+s10+$0x0], $0xffff;
	v8 =	vshrl.u32 v39, $0x18  }
0x1d6: {  	v9 =	vand.u32 $0xF, v9;
	v32 =	vadd.s32 v37, v38;
	v37 =	vld [tilespmem:$0x1FF60];
	[tilespmem:v44+s21+$0x0] =	vst.idx.msk $0xffff, v10;
	v8 =	vand.u32 $0xF, v8  }
0x1d7: {  	[tilespmem:$0x1FD40] =	vst v8  }
0x1d8: {  	v17 =	vshrl.u32 v29, $0x10;
	v10 =	vmul.f32 v22, v28;
	v22 =	vld.idx.msk [tilespmem:v56+s10+$0x0], $0xffff  }
0x1d9: {  	v53 =	vshrl.u32 v1, $0x18;
	v3 =	vshrl.u32 v39, $0x10;
	v41 =	vmovc v59;
	v59 =	vor.u32 v60, v32;
	v0 =	vld.idx.msk [tilespmem:v0+s10+$0x0], $0xffff;
	[tilespmem:$0x1FD50] =	vst v17  }
0x1da: {  	v4 =	vshrl.u32 v49, $0x10;
	v7 =	vshrl.u32 v49, $0x18;
	v42 =	vshrl.u32 v25, $0x14;
	[tilespmem:v50+s21+$0x0] =	vst.idx.msk $0xffff, v10  }
0x1db: {  	v57 =	vshrl.u32 v25, $0xC;
	v50 =	vand.u32 $0xF, v4;
	v4 =	vshrl.u32 v1, $0x1C;
	v1 =	vld.idx.msk [tilespmem:v9+s10+$0x0], $0xffff  }
0x1dc: {  	v34 =	vshrl.u32 v48, $0x10;
	v51 =	vshrl.u32 v33, $0x14;
	v8 =	vmul.f32 v24, v26  }
0x1dd: {  	v16 =	vshrl.u32 v29, $0x4;
	v45 =	vand.u32 $0xF, v7;
	v7 =	vmul.f32 v52, v23  }
0x1de: {  	v18 =	vand.u32 $0xF, v3;
	v3 =	vor.u32 v36, v2;
	v16 =	vand.u32 $0xF, v16;
	[tilespmem:v59+s21+$0x0] =	vst.idx.msk $0xffff, v8  }
0x1df: {  	v21 =	vand.u32 $0xF, v48;
	v55 =	vshrl.u32 v29, $0x8;
	v38 =	vand.u32 $0xF, v63;
	[tilespmem:v6+s21+$0x0] =	vst.idx.msk $0xffff, v7  }
0x1e0: {  	v63 =	vshrl.u32 v25, $0x18;
	v47 =	vor.u32 v36, v11;
	v56 =	vmul.f32 v1, v28;
	v1 =	vld [tilespmem:$0x1FD70]  }
0x1e1: {  	v58 =	vshrl.u32 v39, $0x1C;
	v43 =	vshrl.u32 v29, $0x14;
	v52 =	vor.u32 v40, v2  }
0x1e2: {  	v17 =	vand.u32 $0xF, v57;
	v57 =	vand.u32 $0xF, v29;
	v24 =	vor.u32 v37, v11  }
0x1e3: {  	v10 =	vld.idx.msk [tilespmem:v16+s10+$0x0], $0xffff;
	v16 =	vor.u32 v60, v27;
	v60 =	vand.u32 $0xF, v55;
	v8 =	vmul.f32 v54, v13  }
0x1e4: {  	v55 =	vand.u32 $0xF, v53;
	v6 =	vor.u32 v36, v12;
	v59 =	vor.u32 v5, v12;
	v9 =	vld.idx.msk [tilespmem:v21+s10+$0x0], $0xffff  }
0x1e5: {  	v31 =	vmovc v62;
	v7 =	vshrl.u32 v49, $0x1C;
	[tilespmem:$0x1FD60] =	vst v6;
	v6 =	vor.u32 v62, v2;
	v2 =	vmul.f32 v22, v30  }
0x1e6: {  	v44 =	vmovc v13;
	v5 =	vor.u32 v5, v11;
	v54 =	vor.u32 v61, v32;
	v0 =	vmul.f32 v0, v19  }
0x1e7: {  	v61 =	vshrl.u32 v33, $0x10;
	v39 =	vmul.f32 v20, v41;
	v62 =	vor.u32 v37, v12;
	[tilespmem:v24+s21+$0x0] =	vst.idx.msk $0xffff, v2  }
0x1e8: {  	v53 =	vshrl.u32 v33, $0x18;
	v20 =	vor.u32 v15, v11;
	[tilespmem:v1+s21+$0x0] =	vst.idx.msk $0xffff, v0;
	v0 =	vmul.f32 v10, v35  }
0x1e9: {  	v11 =	vor.u32 v15, v27;
	v22 =	vor.u32 v37, v32;
	v21 =	vmul.f32 v9, v26;
	[tilespmem:$0x1FD80] =	vst v25  }
0x1ea: {  	v2 =	vor.u32 v40, v14;
	v10 =	vor.u32 v15, v12;
	[tilespmem:v16+s21+$0x0] =	vst.idx.msk $0xffff, v0;
	v16 =	vld.idx.msk [tilespmem:v50+s10+$0x0], $0xffff  }
0x1eb: {  	v24 =	vshrl.u32 v29, $0xC;
	v1 =	vshrl.u32 v25, $0x8;
	v12 =	vor.u32 v31, v14;
	[tilespmem:v3+s21+$0x0] =	vst.idx.msk $0xffff, v39;
	v9 =	vld.idx.msk [tilespmem:v38+s10+$0x0], $0xffff  }
0x1ec: {  	s30 =	simm.s32 $0x4;
	s7 =	simm.s32 $0x16;
	v49 =	vmovc v14;
	v3 =	vand.u32 $0xF, v1;
	v50 =	vshrl.u32 v29, $0x18;
	v0 =	vor.u32 v15, v32;
	v1 =	vld.idx.msk [tilespmem:v18+s10+$0x0], $0xffff;
	[tilespmem:$0x1FD90] =	vst v29  }
.LBB2_5:
0x1ed: {  	v14 =	vmov v63  }
0x1ee: {  	[tilespmem:$0x1FC10] =	vst v14;
	v14 =	vld [tilespmem:$0x1FC80]  }
0x1ef: {  	v13 =	vld [tilespmem:$0x1FFD0];
	_ =	sdelay $0x2  }
0x1f0: {  	[tilespmem:v62+s21+$0x0] =	vst.idx.msk $0xffff, v8;
	v62 =	vld.idx.msk [tilespmem:v17+s10+$0x0], $0xffff  }
0x1f1: {  	s22 =	sadd.s32 $0xFFFFFFFE, s7;
	[tilespmem:v12+s21+$0x0] =	vst.idx.msk $0xffff, v56;
	v63 =	vmov v14;
	v14 =	vld [tilespmem:$0x1FC50]  }
0x1f2: {  	v38 =	vld.idx.msk [tilespmem:v4+s10+$0x0], $0xffff;
	v4 =	vmov v54;
	v17 =	vor.u32 s22, v13  }
0x1f3: {  	[tilespmem:$0x1FC80] =	vst v4;
	v4 =	vmul.u32 $0x9D9, v17  }
0x1f4: {  	v8 =	vld [tilespmem:$0x1FCF0]  }
0x1f5: {  	[tilespmem:v22+s21+$0x0] =	vst.idx.msk $0xffff, v21;
	v21 =	vshrl.u32 v4, $0x10;
	v4 =	vld [tilespmem:$0x1FC40];
	_ =	sdelay $0x1  }
0x1f6: {  	v12 =	vld [tilespmem:$0x1FCA0];
	v16 =	vmul.f32 v16, v23  }
0x1f7: {  	[tilespmem:$0x1FBD0] =	vst v48;
	v31 =	vand.u32 $0xF, v24;
	v24 =	vld [tilespmem:$0x1FCB0]  }
0x1f8: {  	v48 =	vand.u32 $0xF, v8;
	[tilespmem:v14+s21+$0x0] =	vst.idx.msk $0xffff, v16;
	v14 =	vld [tilespmem:$0x1FCC0]  }
0x1f9: {  	s0 =	sadd.s32 $0xFFFFFFFA, s7;
	v57 =	vld.idx.msk [tilespmem:v57+s10+$0x0], $0xffff;
	v1 =	vmul.f32 v1, v41  }
0x1fa: {  	[tilespmem:$0x1FC00] =	vst v34;
	v25 =	vld [tilespmem:$0x1FFE0];
	v36 =	vor.u32 s0, v13;
	v16 =	vmul.f32 v9, v19  }
0x1fb: {  	v46 =	vld.idx.msk [tilespmem:v46+s10+$0x0], $0xffff;
	v56 =	vmul.f32 v62, v30;
	[tilespmem:v6+s21+$0x0] =	vst.idx.msk $0xffff, v1;
	v19 =	vmul.u32 $0x9D9, v36  }
0x1fc: {  	v29 =	vor.u32 v37, v27;
	v34 =	vld [tilespmem:$0x1FF80];
	[tilespmem:v4+s21+$0x0] =	vst.idx.msk $0xffff, v16  }
0x1fd: {  	v22 =	vld.idx.msk [tilespmem:v48+s10+$0x0], $0xffff;
	v16 =	vshrl.u32 v19, $0x10;
	v19 =	vmul.u32 $0x3FFFFE6, v21;
	[tilespmem:v20+s21+$0x0] =	vst.idx.msk $0xffff, v56;
	v9 =	vmovc v14;
	v14 =	vmov v24  }
0x1fe: {  	v15 =	vmovc v12;
	v12 =	vmovc v33;
	v33 =	vshll.u32 v17, $0x3;
	v6 =	vmul.f32 v57, v35;
	v1 =	vmul.u32 $0x3FFFFE6, v16;
	[tilespmem:$0x1FC40] =	vst v14;
	v14 =	vld [tilespmem:$0x1FF70]  }
0x1ff: {  	v33 =	vor.u32 v25, v33;
	v21 =	vmul.u32 $0x680, v21;
	v19 =	vadd.s32 v17, v19;
	v48 =	vld.idx.msk [tilespmem:v3+s10+$0x0], $0xffff  }
0x200: {  	s9 =	sadd.s32 $0xFFFFFFFC, s7;
	[tilespmem:$0x1FC30] =	vst v15;
	v3 =	vmul.f32 v38, v28;
	v1 =	vadd.s32 v36, v1;
	v19 =	vshll.u32 v19, $0x6  }
0x201: {  	v8 =	vor.u32 s9, v13;
	v15 =	vld [tilespmem:$0x1FF90];
	[tilespmem:v29+s21+$0x0] =	vst.idx.msk $0xffff, v6;
	v6 =	vshll.u32 v1, $0x6;
	v1 =	vadd.s32 v21, v19  }
0x202: {  	v40 =	vmul.u32 $0x9D9, v8;
	v31 =	vld.idx.msk [tilespmem:v31+s10+$0x0], $0xffff;
	[tilespmem:v2+s21+$0x0] =	vst.idx.msk $0xffff, v3;
	v2 =	vor.u32 v34, v1  }
0x203: {  	v20 =	vld.idx.msk [tilespmem:v58+s10+$0x0], $0xffff;
	[tilespmem:$0x1FBF0] =	vst v2;
	v19 =	vmov v30;
	v2 =	vor.u32 v14, v1  }
0x204: {  	v62 =	vshrl.u32 v40, $0x10;
	v40 =	vmul.f32 v48, v19;
	[tilespmem:$0x1FCA0] =	vst v2;
	v2 =	vld [tilespmem:$0x1FFC0]  }
0x205: {  	v58 =	vld.idx.msk [tilespmem:v33+s24+$0x0], $0xffff  }
0x206: {  	[tilespmem:v5+s21+$0x0] =	vst.idx.msk $0xffff, v40;
	v5 =	vld [tilespmem:$0x1FD40]  }
0x207: {  	v39 =	vshll.u32 v8, $0x3  }
0x208: {  	v37 =	vor.u32 v25, v39;
	v4 =	vor.u32 v15, v32;
	v16 =	vmul.u32 $0x680, v16  }
0x209: {  	[tilespmem:$0x1FBE0] =	vst v4;
	v4 =	vld [tilespmem:$0x1FD00];
	v3 =	vor.u32 v2, v1  }
0x20a: {  	[tilespmem:$0x1FCB0] =	vst v3;
	v3 =	vadd.s32 v16, v6  }
0x20b: {  	[tilespmem:$0x1FC20] =	vst v12;
	v12 =	vshll.u32 v36, $0x3;
	v20 =	vmul.f32 v20, v41;
	v6 =	vor.u32 v34, v3  }
0x20c: {  	v12 =	vor.u32 v25, v12;
	[tilespmem:$0x1FCC0] =	vst v6  }
0x20d: {  	v6 =	vld.idx.msk [tilespmem:v37+s24+$0x0], $0xffff;
	[tilespmem:v52+s21+$0x0] =	vst.idx.msk $0xffff, v20  }
0x20e: {  	v22 =	vmul.f32 v22, v44;
	v21 =	vand.u32 $0xF, v4;
	v4 =	vmov v44;
	v44 =	vld.idx.msk [tilespmem:v5+s10+$0x0], $0xffff  }
0x20f: {  	v5 =	vld [tilespmem:$0x1FC60]  }
0x210: {  	v29 =	vld.idx.msk [tilespmem:v7+s10+$0x0], $0xffff  }
0x211: {  	v33 =	vld.idx.msk [tilespmem:v12+s24+$0x0], $0xffff;
	[tilespmem:v10+s21+$0x0] =	vst.idx.msk $0xffff, v22;
	v22 =	vmul.f32 v31, v35  }
0x212: {  	v37 =	vmul.f32 v46, v26;
	v46 =	vld.idx.msk [tilespmem:v55+s10+$0x0], $0xffff  }
0x213: {  	[tilespmem:v11+s21+$0x0] =	vst.idx.msk $0xffff, v22;
	v22 =	vld [tilespmem:$0x1FCD0]  }
0x214: {  	v39 =	vmovc v23;
	v57 =	vmul.u32 $0x680, v62;
	v56 =	vmov v50;
	v50 =	vor.u32 s7, v13  }
0x215: {  	v38 =	vmul.u32 $0x3FFFFE6, v62;
	v62 =	vmul.u32 $0x9D9, v50;
	v29 =	vmul.f32 v29, v39;
	v10 =	vld [tilespmem:$0x1FD10]  }
0x216: {  	v36 =	vld.idx.msk [tilespmem:v36+s25+$0x0], $0xffff  }
0x217: {  	v21 =	vld.idx.msk [tilespmem:v21+s10+$0x0], $0xffff;
	v20 =	vshrl.u32 v33, $0x4;
	[tilespmem:v5+s21+$0x0] =	vst.idx.msk $0xffff, v29;
	v29 =	vshrl.u32 v62, $0x10  }
0x218: {  	v48 =	vshll.u32 v50, $0x3;
	v20 =	vand.u32 $0xF, v20;
	v7 =	vmovc v22;
	v22 =	vmul.u32 $0x3FFFFE6, v29  }
0x219: {  	v31 =	vor.u32 v15, v27;
	v30 =	vor.u32 v14, v3  }
0x21a: {  	v10 =	vand.u32 $0xF, v10;
	v13 =	vmovc v30;
	v30 =	vld.idx.msk [tilespmem:v17+s25+$0x0], $0xffff;
	v17 =	vmul.u32 $0x680, v29;
	v22 =	vadd.s32 v50, v22  }
0x21b: {  	v55 =	vmovc v53;
	v53 =	vor.u32 v25, v48;
	v48 =	vmovc v27;
	v27 =	vshrl.u32 v6, $0xC;
	v22 =	vshll.u32 v22, $0x6  }
0x21c: {  	[tilespmem:$0x1FC60] =	vst v7;
	v7 =	vand.u32 $0xF, v27;
	v11 =	vld.idx.msk [tilespmem:v45+s10+$0x0], $0xffff;
	v27 =	vadd.s32 v17, v22;
	v17 =	vmul.f32 v21, v4  }
0x21d: {  	v20 =	vld.idx.msk [tilespmem:v20+s10+$0x0], $0xffff  }
0x21e: {  	[tilespmem:v59+s21+$0x0] =	vst.idx.msk $0xffff, v17;
	v59 =	vld [tilespmem:$0x1FCE0]  }
0x21f: {  	v23 =	vld [tilespmem:$0x1FFF0];
	[tilespmem:v0+s21+$0x0] =	vst.idx.msk $0xffff, v37  }
0x220: {  	v10 =	vld.idx.msk [tilespmem:v10+s10+$0x0], $0xffff  }
0x221: {  	v25 =	vmul.f32 v46, v28;
	v28 =	vld.idx.msk [tilespmem:v53+s24+$0x0], $0xffff;
	v0 =	vmul.f32 v44, v41  }
0x222: {  	v12 =	vmov v61;
	v61 =	vand.u32 $0xF, v42;
	[tilespmem:$0x1FC50] =	vst v9;
	v9 =	vand.u32 $0xF, v51;
	v53 =	vld [tilespmem:$0x1FC70]  }
0x223: {  	v42 =	vshrl.u32 v58, $0x4;
	v51 =	vor.u32 v2, v49;
	v45 =	vld.idx.msk [tilespmem:v60+s10+$0x0], $0xffff;
	v21 =	vadd.s32 v8, v38;
	v18 =	vmovc v59  }
0x224: {  	v54 =	vor.u32 v2, v3;
	v22 =	vshrl.u32 v6, $0x14;
	v8 =	vld.idx.msk [tilespmem:v8+s25+$0x0], $0xffff;
	[tilespmem:$0x1FC70] =	vst v18;
	v18 =	vshll.u32 v21, $0x6  }
0x225: {  	[tilespmem:v63+s21+$0x0] =	vst.idx.msk $0xffff, v0;
	v0 =	vmov v54;
	v11 =	vmul.f32 v11, v39;
	v39 =	vadd.s32 v57, v18  }
0x226: {  	[tilespmem:$0x1FCE0] =	vst v0;
	v0 =	vld [tilespmem:$0x1FD20];
	v54 =	vor.u32 v2, v39;
	v2 =	vmov v22  }
0x227: {  	v49 =	vand.u32 $0xF, v42;
	v42 =	vmov v35;
	v16 =	vor.u32 v23, v3;
	[tilespmem:$0x1FD20] =	vst v2;
	v2 =	vld [tilespmem:$0x1FD80]  }
0x228: {  	v17 =	vmul.f32 v45, v42  }
0x229: {  	v61 =	vld.idx.msk [tilespmem:v61+s10+$0x0], $0xffff;
	[tilespmem:v51+s21+$0x0] =	vst.idx.msk $0xffff, v25  }
0x22a: {  	v60 =	vshrl.u32 v6, $0x4;
	[tilespmem:v31+s21+$0x0] =	vst.idx.msk $0xffff, v17;
	v17 =	vmul.f32 v20, v36  }
0x22b: {  	v25 =	vand.u32 $0xF, v60;
	[tilespmem:v53+s21+$0x0] =	vst.idx.msk $0xffff, v11;
	v21 =	vld [tilespmem:$0x1FD30]  }
0x22c: {  	v29 =	vand.u32 $0xF, v43;
	[tilespmem:v16+s21+$0x0] =	vst.idx.msk $0xffff, v17;
	v17 =	vshrl.u32 v2, $0x1C;
	v2 =	vld [tilespmem:$0x1FBD0]  }
0x22d: {  	v35 =	vld.idx.msk [tilespmem:v49+s10+$0x0], $0xffff  }
0x22e: {  	v49 =	vmul.f32 v61, v19  }
0x22f: {  	v24 =	vshrl.u32 v58, $0xC;
	v40 =	vmov v4;
	[tilespmem:$0x1FCD0] =	vst v13;
	v4 =	vld [tilespmem:$0x1FBE0]  }
0x230: {  	v52 =	vand.u32 $0xF, v58;
	[tilespmem:v47+s21+$0x0] =	vst.idx.msk $0xffff, v49;
	v13 =	vshrl.u32 v6, $0x8;
	v46 =	vshrl.u32 v58, $0x14;
	v25 =	vld.idx.msk [tilespmem:v25+s10+$0x0], $0xffff  }
0x231: {  	[tilespmem:$0x1FD10] =	vst v13;
	v13 =	vshrl.u32 v58, $0x10;
	v63 =	vshrl.u32 v58, $0x18;
	v29 =	vld.idx.msk [tilespmem:v29+s10+$0x0], $0xffff;
	v60 =	vshrl.u32 v2, $0x18  }
0x232: {  	v43 =	vmovc v36;
	v45 =	vmovc v58;
	v36 =	vmul.f32 v35, v30;
	v35 =	vld.idx.msk [tilespmem:v50+s25+$0x0], $0xffff;
	v58 =	vshrl.u32 v2, $0x1C;
	v2 =	vand.u32 $0xF, v60  }
0x233: {  	[tilespmem:$0x1FD40] =	vst v2;
	v2 =	vld [tilespmem:$0x1FC90]  }
0x234: {  	v62 =	vor.u32 v23, v1;
	v20 =	vand.u32 $0xF, v33;
	v21 =	vld.idx.msk [tilespmem:v21+s10+$0x0], $0xffff  }
0x235: {  	v41 =	vmov v26;
	v10 =	vmul.f32 v10, v26;
	v26 =	vmov v8;
	v8 =	vld [tilespmem:$0x1FBF0]  }
0x236: {  	v13 =	vand.u32 $0xF, v13;
	v9 =	vld.idx.msk [tilespmem:v9+s10+$0x0], $0xffff;
	v18 =	vshrl.u32 v28, $0x4  }
0x237: {  	v59 =	vld [tilespmem:$0x1FFA0];
	[tilespmem:$0x1FD30] =	vst v13;
	v16 =	vand.u32 $0xF, v18  }
0x238: {  	v13 =	vld [tilespmem:$0x1FD50];
	[tilespmem:v4+s21+$0x0] =	vst.idx.msk $0xffff, v10  }
0x239: {  	v0 =	vand.u32 $0xF, v0;
	v20 =	vld.idx.msk [tilespmem:v20+s10+$0x0], $0xffff;
	[tilespmem:v62+s21+$0x0] =	vst.idx.msk $0xffff, v36;
	v4 =	vmul.f32 v21, v19  }
0x23a: {  	v57 =	vor.u32 v23, v39;
	v10 =	vld.idx.msk [tilespmem:v52+s10+$0x0], $0xffff  }
0x23b: {  	v5 =	vshrl.u32 v33, $0xC;
	[tilespmem:v2+s21+$0x0] =	vst.idx.msk $0xffff, v4;
	v2 =	vld [tilespmem:$0x1FD90]  }
0x23c: {  	v31 =	vand.u32 $0xF, v6;
	v9 =	vmul.f32 v9, v40;
	v36 =	vor.u32 v23, v27;
	v23 =	vmovc v40;
	v40 =	vld.idx.msk [tilespmem:v16+s10+$0x0], $0xffff  }
0x23d: {  	[tilespmem:$0x1FCF0] =	vst v5;
	v5 =	vshrl.u32 v33, $0x8;
	v37 =	vshrl.u32 v28, $0x10;
	v25 =	vmul.f32 v25, v26;
	v16 =	vld [tilespmem:$0x1FD60]  }
0x23e: {  	[tilespmem:$0x1FD00] =	vst v5;
	v5 =	vshrl.u32 v28, $0x14;
	v44 =	vmovc v43;
	v11 =	vshrl.u32 v28, $0x8;
	v50 =	vshrl.u32 v28, $0x18;
	v0 =	vld.idx.msk [tilespmem:v0+s10+$0x0], $0xffff  }
0x23f: {  	v22 =	vmul.f32 v29, v42;
	v49 =	vor.u32 v59, v48;
	v47 =	vand.u32 $0xF, v13;
	v13 =	vld [tilespmem:$0x1FF60];
	[tilespmem:v57+s21+$0x0] =	vst.idx.msk $0xffff, v25  }
0x240: {  	v57 =	vand.u32 $0xF, v28;
	v4 =	vshrl.u32 v2, $0x1C;
	v2 =	vmovc v8;
	v8 =	vmul.f32 v20, v43;
	v43 =	vmovc v5;
	v5 =	vld [tilespmem:$0x1FC10]  }
0x241: {  	v25 =	vld.idx.msk [tilespmem:v31+s10+$0x0], $0xffff;
	v31 =	vmovc v28;
	v28 =	vmovc v42;
	v42 =	vmov v46;
	v46 =	vmov v7;
	v7 =	vor.u32 v59, v3  }
0x242: {  	[tilespmem:$0x1FD60] =	vst v7;
	v7 =	vld [tilespmem:$0x1FC20]  }
0x243: {  	v61 =	vshrl.u32 v33, $0x10;
	[tilespmem:$0x1FC90] =	vst v2;
	v2 =	vld [tilespmem:$0x1FC00]  }
0x244: {  	v51 =	vshrl.u32 v33, $0x14;
	[tilespmem:v49+s21+$0x0] =	vst.idx.msk $0xffff, v22;
	v21 =	vand.u32 $0xF, v12;
	v60 =	vand.u32 $0xF, v11;
	v62 =	vld.idx.msk [tilespmem:v17+s10+$0x0], $0xffff  }
0x245: {  	v11 =	vor.u32 v59, v32;
	[tilespmem:v16+s21+$0x0] =	vst.idx.msk $0xffff, v9;
	v20 =	vld.idx.msk [tilespmem:v47+s10+$0x0], $0xffff;
	v9 =	vand.u32 $0xF, v5;
	v5 =	vmov v37  }
0x246: {  	v47 =	vor.u32 v59, v1;
	v59 =	vor.u32 v15, v3;
	[tilespmem:$0x1FD50] =	vst v5;
	v5 =	vor.u32 v15, v1;
	v15 =	vld [tilespmem:$0x1FC30]  }
0x247: {  	v38 =	vshrl.u32 v6, $0x10;
	v53 =	vshrl.u32 v33, $0x18;
	v52 =	vor.u32 v14, v32;
	v37 =	vld [tilespmem:$0x1FF60]  }
0x248: {  	v29 =	vor.u32 v13, v1;
	v13 =	vand.u32 $0xF, v2;
	v2 =	vor.u32 v14, v48;
	v14 =	vld [tilespmem:$0x1FFB0]  }
0x249: {  	v18 =	vand.u32 $0xF, v55;
	v17 =	vand.u32 $0xF, v24;
	v24 =	vmul.f32 v0, v41  }
0x24a: {  	s30 =	sadd.s32 $0x4, s30;
	v55 =	vand.u32 $0xF, v56;
	[tilespmem:$0x1FD80] =	vst v45;
	v49 =	vmovc v48;
	v12 =	vor.u32 v34, v48;
	v10 =	vmul.f32 v10, v30  }
0x24b: {  	p0 =	slt.u32 s30, $0xCC;
	v7 =	vshrl.u32 v7, $0x1C;
	v16 =	vld.idx.msk [tilespmem:v21+s10+$0x0], $0xffff;
	[tilespmem:v11+s21+$0x0] =	vst.idx.msk $0xffff, v24;
	v24 =	vshrl.u32 v31, $0xC;
	v21 =	vmul.f32 v62, v19  }
.Ltmp3:
0x24c: {  	v56 =	vmul.f32 v20, v28;
	v48 =	vmovc v6;
	v6 =	vor.u32 v34, v32;
	v62 =	vor.u32 v37, v3;
	(pc) =	sbr.rel @p0 .LBB2_5-.Ltmp3, $4  }
0x24d: {  	[tilespmem:$0x1FD90] =	vst v31;
	v22 =	vor.u32 v37, v39;
	v0 =	vor.u32 v14, v39;
	v20 =	vor.u32 v14, v1  }
0x24e: {  	v1 =	vshrl.u32 v45, $0x8;
	[tilespmem:v15+s21+$0x0] =	vst.idx.msk $0xffff, v21;
	v21 =	vmul.f32 v25, v26;
	v25 =	vmul.f32 v40, v35  }
0x24f: {  	v34 =	vmov v38;
	[tilespmem:v29+s21+$0x0] =	vst.idx.msk $0xffff, v10;
	v10 =	vor.u32 v14, v3;
	v3 =	vand.u32 $0xF, v1;
	v1 =	vld.idx.msk [tilespmem:v13+s10+$0x0], $0xffff  }
0x250: {  	s7 =	sadd.s32 $0x8, s7;
	v32 =	vmov v39;
	v45 =	vmov v18;
	v11 =	vor.u32 v14, v27;
	v9 =	vld.idx.msk [tilespmem:v9+s10+$0x0], $0xffff;
	[tilespmem:v36+s21+$0x0] =	vst.idx.msk $0xffff, v25  }
0x251: {  	_ =	sdelay $0x3  }
0x252: {  	v13 =	vld.idx.msk [tilespmem:v57+s10+$0x0], $0xffff  }
0x253: {  	v14 =	vld [tilespmem:$0x1FCF0];
	_ =	sdelay $0x1  }
0x254: {  	v38 =	vld [tilespmem:$0x1FFB0];
	v25 =	vor.u32 v37, v27  }
0x255: {  	v36 =	vld [tilespmem:$0x1FFD0]  }
0x256: {  	v31 =	vld [tilespmem:$0x1FFF0];
	v24 =	vand.u32 $0xF, v24  }
0x257: {  	v29 =	vld [tilespmem:$0x1FFE0];
	v15 =	vmov v28;
	[tilespmem:v62+s21+$0x0] =	vst.idx.msk $0xffff, v8;
	v28 =	vand.u32 $0xF, v14;
	v13 =	vmul.f32 v13, v35  }
0x258: {  	[tilespmem:v22+s21+$0x0] =	vst.idx.msk $0xffff, v21  }
0x259: {  	[tilespmem:v25+s21+$0x0] =	vst.idx.msk $0xffff, v13;
	v13 =	vld.idx.msk [tilespmem:v17+s10+$0x0], $0xffff  }
0x25a: {  	v14 =	vld [tilespmem:$0x1FD00]  }
0x25b: {  	v8 =	vld.idx.msk [tilespmem:v24+s10+$0x0], $0xffff  }
0x25c: {  	v40 =	vld.idx.msk [tilespmem:v28+s10+$0x0], $0xffff  }
0x25d: {  	v21 =	vld.idx.msk [tilespmem:v46+s10+$0x0], $0xffff;
	_ =	sdelay $0x1  }
0x25e: {  	v13 =	vmul.f32 v13, v30;
	v46 =	vand.u32 $0xF, v14;
	v14 =	vld [tilespmem:$0x1FD10]  }
0x25f: {  	v8 =	vmul.f32 v8, v35  }
0x260: {  	[tilespmem:v20+s21+$0x0] =	vst.idx.msk $0xffff, v13;
	v13 =	vmul.f32 v40, v44  }
0x261: {  	[tilespmem:v11+s21+$0x0] =	vst.idx.msk $0xffff, v8;
	v8 =	vmul.f32 v21, v26  }
0x262: {  	[tilespmem:v10+s21+$0x0] =	vst.idx.msk $0xffff, v13  }
0x263: {  	v10 =	vld.idx.msk [tilespmem:v60+s10+$0x0], $0xffff;
	[tilespmem:v0+s21+$0x0] =	vst.idx.msk $0xffff, v8;
	v57 =	vand.u32 $0xF, v14  }
0x264: {  	v60 =	vand.u32 $0xF, v42;
	v42 =	vld [tilespmem:$0x1FF90]  }
0x265: {  	v3 =	vld.idx.msk [tilespmem:v3+s10+$0x0], $0xffff  }
0x266: {  	v11 =	vld.idx.msk [tilespmem:v46+s10+$0x0], $0xffff;
	_ =	sdelay $0x1  }
0x267: {  	v13 =	vld.idx.msk [tilespmem:v57+s10+$0x0], $0xffff  }
0x268: {  	v8 =	vor.u32 v42, v27  }
0x269: {  	v3 =	vmul.f32 v3, v30;
	v25 =	vor.u32 v42, v32  }
0x26a: {  	v40 =	vmul.f32 v11, v44  }
0x26b: {  	v14 =	vld [tilespmem:$0x1FD20];
	v10 =	vmul.f32 v10, v35;
	[tilespmem:v5+s21+$0x0] =	vst.idx.msk $0xffff, v3  }
0x26c: {  	v62 =	vand.u32 $0xF, v43;
	[tilespmem:v59+s21+$0x0] =	vst.idx.msk $0xffff, v40;
	v43 =	vmul.f32 v13, v26  }
0x26d: {  	[tilespmem:v8+s21+$0x0] =	vst.idx.msk $0xffff, v10  }
0x26e: {  	[tilespmem:v25+s21+$0x0] =	vst.idx.msk $0xffff, v43  }
0x26f: {  	v43 =	vld [tilespmem:$0x1FFA0]  }
0x270: {  	v24 =	vand.u32 $0xF, v51  }
0x271: {  	v0 =	vld.idx.msk [tilespmem:v60+s10+$0x0], $0xffff  }
0x272: {  	v46 =	vld.idx.msk [tilespmem:v62+s10+$0x0], $0xffff;
	_ =	sdelay $0x1  }
0x273: {  	v39 =	vand.u32 $0xF, v14;
	v51 =	vor.u32 v43, v27  }
0x274: {  	v8 =	vld.idx.msk [tilespmem:v24+s10+$0x0], $0xffff  }
0x275: {  	v0 =	vmul.f32 v0, v30  }
0x276: {  	v3 =	vmul.f32 v46, v35  }
0x277: {  	v11 =	vld [tilespmem:$0x1FD50];
	[tilespmem:v47+s21+$0x0] =	vst.idx.msk $0xffff, v0  }
0x278: {  	v10 =	vld.idx.msk [tilespmem:v39+s10+$0x0], $0xffff;
	[tilespmem:v51+s21+$0x0] =	vst.idx.msk $0xffff, v3  }
0x279: {  	v60 =	vmul.f32 v8, v44;
	v8 =	vld [tilespmem:$0x1FD60];
	_ =	sdelay $0x1  }
0x27a: {  	v57 =	vor.u32 v43, v32;
	_ =	sdelay $0x1  }
0x27b: {  	v13 =	vand.u32 $0xF, v61  }
0x27c: {  	v61 =	vmul.f32 v10, v26;
	_ =	sdelay $0x1  }
0x27d: {  	v3 =	vld [tilespmem:$0x1FD30];
	[tilespmem:v57+s21+$0x0] =	vst.idx.msk $0xffff, v61  }
0x27e: {  	[tilespmem:v8+s21+$0x0] =	vst.idx.msk $0xffff, v60  }
0x27f: {  	[tilespmem:v12+s21+$0x0] =	vst.idx.msk $0xffff, v56;
	v8 =	vld.idx.msk [tilespmem:v13+s10+$0x0], $0xffff  }
0x280: {  	v13 =	vld [tilespmem:$0x1FC50];
	_ =	sdelay $0x5  }
0x281: {  	v18 =	vmul.f32 v16, v23  }
0x282: {  	v1 =	vmul.f32 v1, v41;
	v11 =	vand.u32 $0xF, v11;
	v10 =	vld [tilespmem:$0x1FD80]  }
0x283: {  	v14 =	vld [tilespmem:$0x1FF80];
	[tilespmem:v13+s21+$0x0] =	vst.idx.msk $0xffff, v18  }
0x284: {  	v5 =	vld [tilespmem:$0x1FD90];
	[tilespmem:v6+s21+$0x0] =	vst.idx.msk $0xffff, v1  }
0x285: {  	v6 =	vld [tilespmem:$0x1FC90]  }
0x286: {  	v3 =	vld.idx.msk [tilespmem:v3+s10+$0x0], $0xffff  }
0x287: {  	v59 =	vand.u32 $0xF, v34;
	v62 =	vld.idx.msk [tilespmem:v11+s10+$0x0], $0xffff;
	_ =	sdelay $0x1  }
0x288: {  	v10 =	vshrl.u32 v10, $0x1C;
	v11 =	vor.u32 v14, v27;
	_ =	sdelay $0x1  }
0x289: {  	v3 =	vmul.f32 v3, v30  }
0x28a: {  	v12 =	vld.idx.msk [tilespmem:v59+s10+$0x0], $0xffff;
	v0 =	vmul.f32 v62, v35  }
0x28b: {  	v4 =	vld.idx.msk [tilespmem:v4+s10+$0x0], $0xffff;
	[tilespmem:v6+s21+$0x0] =	vst.idx.msk $0xffff, v3  }
0x28c: {  	v21 =	vshrl.u32 v33, $0x1C;
	[tilespmem:v11+s21+$0x0] =	vst.idx.msk $0xffff, v0;
	v33 =	vld.idx.msk [tilespmem:v10+s10+$0x0], $0xffff  }
0x28d: {  	v10 =	vld [tilespmem:$0x1FCC0]  }
0x28e: {  	v13 =	vor.u32 v14, v32;
	_ =	sdelay $0x2  }
0x28f: {  	v25 =	vmul.f32 v8, v44;
	v8 =	vmul.f32 v12, v26  }
0x290: {  	v4 =	vmul.f32 v4, v15  }
0x291: {  	[tilespmem:v13+s21+$0x0] =	vst.idx.msk $0xffff, v8  }
0x292: {  	[tilespmem:v2+s21+$0x0] =	vst.idx.msk $0xffff, v4  }
0x293: {  	v24 =	vld.idx.msk [tilespmem:v58+s10+$0x0], $0xffff;
	[tilespmem:v10+s21+$0x0] =	vst.idx.msk $0xffff, v25  }
0x294: {  	v8 =	vld [tilespmem:$0x1FC60]  }
0x295: {  	v7 =	vld.idx.msk [tilespmem:v7+s10+$0x0], $0xffff;
	_ =	sdelay $0x3  }
0x296: {  	v3 =	vmul.f32 v24, v41  }
0x297: {  	v34 =	vmul.f32 v7, v23  }
0x298: {  	v5 =	vshrl.u32 v5, $0x1C;
	v40 =	vld [tilespmem:$0x1FF70];
	[tilespmem:v52+s21+$0x0] =	vst.idx.msk $0xffff, v3  }
0x299: {  	[tilespmem:v8+s21+$0x0] =	vst.idx.msk $0xffff, v34  }
0x29a: {  	v13 =	vld [tilespmem:$0x1FCA0];
	_ =	sdelay $0x2  }
0x29b: {  	v22 =	vshrl.u32 v48, $0x1C;
	v5 =	vld.idx.msk [tilespmem:v5+s10+$0x0], $0xffff;
	_ =	sdelay $0x1  }
0x29c: {  	v46 =	vor.u32 v40, v27  }
0x29d: {  	v0 =	vmul.f32 v33, v30;
	_ =	sdelay $0x1  }
0x29e: {  	v1 =	vld.idx.msk [tilespmem:v22+s10+$0x0], $0xffff;
	v5 =	vmul.f32 v5, v35;
	[tilespmem:v13+s21+$0x0] =	vst.idx.msk $0xffff, v0  }
0x29f: {  	v0 =	vld [tilespmem:$0x1FD40]  }
0x2a0: {  	v61 =	vld [tilespmem:$0x1FFC0];
	[tilespmem:v46+s21+$0x0] =	vst.idx.msk $0xffff, v5  }
0x2a1: {  	v52 =	vld [tilespmem:$0x1FCD0]  }
0x2a2: {  	v39 =	vld.idx.msk [tilespmem:v21+s10+$0x0], $0xffff  }
0x2a3: {  	v12 =	vor.u32 v40, v32  }
0x2a4: {  	v8 =	vand.u32 $0xF, v50;
	_ =	sdelay $0x1  }
0x2a5: {  	v1 =	vmul.f32 v1, v26  }
0x2a6: {  	v7 =	vmul.f32 v39, v44  }
0x2a7: {  	v10 =	vld.idx.msk [tilespmem:v55+s10+$0x0], $0xffff;
	[tilespmem:v12+s21+$0x0] =	vst.idx.msk $0xffff, v1  }
0x2a8: {  	v5 =	vld.idx.msk [tilespmem:v8+s10+$0x0], $0xffff;
	[tilespmem:v52+s21+$0x0] =	vst.idx.msk $0xffff, v7  }
0x2a9: {  	v8 =	vld [tilespmem:$0x1FC40];
	_ =	sdelay $0x1  }
0x2aa: {  	v13 =	vor.u32 v61, v49;
	_ =	sdelay $0x2  }
0x2ab: {  	v55 =	vmul.f32 v10, v15  }
0x2ac: {  	v11 =	vand.u32 $0xF, v53;
	v53 =	vmul.f32 v9, v19  }
0x2ad: {  	[tilespmem:v13+s21+$0x0] =	vst.idx.msk $0xffff, v55  }
0x2ae: {  	[tilespmem:v8+s21+$0x0] =	vst.idx.msk $0xffff, v53  }
0x2af: {  	v1 =	vld [tilespmem:$0x1FC70]  }
0x2b0: {  	v50 =	vld.idx.msk [tilespmem:v45+s10+$0x0], $0xffff;
	_ =	sdelay $0x4  }
0x2b1: {  	v3 =	vmul.f32 v50, v23;
	_ =	sdelay $0x1  }
0x2b2: {  	[tilespmem:v1+s21+$0x0] =	vst.idx.msk $0xffff, v3  }
0x2b3: {  	v59 =	vld [tilespmem:$0x1FC80]  }
0x2b4: {  	v0 =	vld.idx.msk [tilespmem:v0+s10+$0x0], $0xffff;
	_ =	sdelay $0x3  }
0x2b5: {  	v47 =	vand.u32 $0xF, v63  }
0x2b6: {  	v0 =	vmul.f32 v0, v41;
	_ =	sdelay $0x1  }
0x2b7: {  	[tilespmem:v59+s21+$0x0] =	vst.idx.msk $0xffff, v0  }
0x2b8: {  	v2 =	vld [tilespmem:$0x1FCB0]  }
0x2b9: {  	v51 =	vld.idx.msk [tilespmem:v47+s10+$0x0], $0xffff  }
0x2ba: {  	v48 =	vshrl.u32 v48, $0x18;
	v57 =	vor.u32 v61, v27  }
0x2bb: {  	v6 =	vand.u32 $0xF, v48;
	_ =	sdelay $0x1  }
0x2bc: {  	v60 =	vmul.f32 v5, v35  }
0x2bd: {  	v58 =	vmul.f32 v51, v30  }
0x2be: {  	[tilespmem:v57+s21+$0x0] =	vst.idx.msk $0xffff, v60  }
0x2bf: {  	v56 =	vld.idx.msk [tilespmem:v6+s10+$0x0], $0xffff;
	[tilespmem:v2+s21+$0x0] =	vst.idx.msk $0xffff, v58  }
0x2c0: {  	v2 =	vld [tilespmem:$0x1FCE0]  }
0x2c1: {  	v7 =	vld.idx.msk [tilespmem:v11+s10+$0x0], $0xffff;
	_ =	sdelay $0x1  }
0x2c2: {  	s0 =	sadd.s32 s26, s8  }
0x2c3: {  	s0 =	smul.u32 $0xD0, s0  }
.Ltmp4:
0x2c4: {  	v63 =	vmul.f32 v56, v26;
	(pc) =	sbr.rel @p1 .LBB2_8-.Ltmp4, $4  }
0x2c5: {  	v62 =	vmul.f32 v7, v44  }
0x2c6: {  	s0 =	sadd.s32 s4, s0;
	[tilespmem:v54+s21+$0x0] =	vst.idx.msk $0xffff, v63  }
0x2c7: {  	s0 =	sadd.s32 $0xD00, s0;
	[tilespmem:v2+s21+$0x0] =	vst.idx.msk $0xffff, v62  }
0x2c8: {  	v11 =	vmov v40;
	[hbm4b:s0+s5] =	stream.linear.scatter [tilespmem:s21], [sflag:$0x4], $0x6800, $0x38;
	[tilespmem:$0x19410] =	vst v63  }
0x2c9: {  	s0 =	smul.u32 $0xD00, s23;
	_ =	sdelay $0x1  }
0x2ca: {  	s0 =	sshra.s32 s0, $0x2  }
0x2cb: {  	s7 =	sadd.s32 $0x4E0, s0  }
0x2cc: {  	[tilespmem:s24], [sflag:$0x2] =	stream.indirect.gather [hbm4b:s6+s12], $0x8, s7, s12, $0xb8;
	[tilespmem:$0x19410] =	vst v63  }
0x2cd: {  	_ = 	snop  }
0x2ce: {  	[tilespmem:s25], [sflag:$0x2] =	stream.indirect.gather [hbm4b:s1+s12], $0x1, s7, s12, $0xb8;
	[tilespmem:$0x19410] =	vst v63  }
0x2cf: {  	s26 =	sadd.s32 $0x548, s0  }
0x2d0: {  	[tilespmem:s28], [sflag:$0x2] =	stream.indirect.gather [hbm4b:s6+s12], $0x8, s26, s12, $0xb8;
	[tilespmem:$0x19410] =	vst v63  }
0x2d1: {  	_ = 	snop  }
0x2d2: {  	[tilespmem:s29], [sflag:$0x2] =	stream.indirect.gather [hbm4b:s1+s12], $0x1, s26, s12, $0xb8;
	[tilespmem:$0x19410] =	vst v63  }
0x2d3: {  	s30 =	sadd.s32 $0x5B0, s0  }
0x2d4: {  	[tilespmem:s31], [sflag:$0x2] =	stream.indirect.gather [hbm4b:s6+s12], $0x8, s30, s12, $0xb8;
	[tilespmem:$0x19410] =	vst v63  }
0x2d5: {  	_ = 	snop  }
0x2d6: {  	[tilespmem:s2], [sflag:$0x2] =	stream.indirect.gather [hbm4b:s1+s12], $0x1, s30, s12, $0xb8;
	[tilespmem:$0x19410] =	vst v63  }
.Ltmp5:
0x2d7: {  	_ = 	snop;
	(pc) =	sbr.rel .LBB2_2-.Ltmp5, $4  }
0x2d8: {  	s0 =	sadd.s32 $0x618, s0  }
0x2d9: {  	[tilespmem:s3], [sflag:$0x2] =	stream.indirect.gather [hbm4b:s6+s12], $0x8, s0, s12, $0xb8;
	[tilespmem:$0x19410] =	vst v63  }
0x2da: {  	s23 =	sadd.s32 $0x1, s23  }
0x2db: {  	v55 =	vmovc v29;
	v60 =	vmov v31;
	v56 =	vmov v36;
	v41 =	vmov v38;
	[tilespmem:s15], [sflag:$0x2] =	stream.indirect.gather [hbm4b:s1+s12], $0x1, s0, s12, $0xb8;
	[tilespmem:$0x19410] =	vst v63  }
.LBB2_9:
0x2dc: {  	_ =	sfence.sel $0x180000  }
0x2dd: {  	[bflag:$0x0] =	sbarrier.arrive $0xFFFF  }
0x2de: {  	_ =	strace $0x90000047  }
0x2df: {  	s0 =	stileid.u32;
	[bflag:$0x2] =	sbarrier.arrive $0xFFFF  }
0x2e0: {  	p0 =	sne.s32 s0, $0x0;
	s0 =	rddreg [dreg:$0x4]  }
0x2e1: {  	s0 =	sadd.s32 @!p0 $0x100000, s0  }
0x2e2: {  	[sflag:s0] =	ssyncadd.tile.s32 @!p0 $0x1;
	_ =	shalt  }
.Lfunc_end2:
_tile_overlayer_lowered:
.L_overlay_start_2:
0x2e3: {  	(tag) =	ssettag $0x2  }
0x2e4: {  	s0 =	rddreg [dreg:$0x0];
	s2 =	stileid.u32  }
0x2e5: {  	s1 =	rddreg [dreg:$0x1];
	p0 =	sne.s32 s2, $0x0  }
0x2e6: {  	s3 =	rddreg [dreg:$0x2];
	[bflag:$0x3] =	sbarrier.arrive $0xFFFF;
	s2 =	simm.s32 @!p0 $0x1C05  }
0x2e7: {  	[timem:s3], [sflag:s2] =	dma.local @!p0 [hbm:s0], s1  }
0x2e8: {  	s0 =	simm.s32 @!p0 $0x5  }
0x2e9: {  	_ =	swait.ge @!p0 [sflag:s0], s1  }
0x2ea: {  	s1 =	ssub.s32 @!p0 $0x0, s1;
	[sflag:s0] =	ssyncset.done @!p0 $0x0  }
0x2eb: {  	[sflag:s0] =	ssyncadd.s32 @!p0 s1  }
0x2ec: {  	[bflag:$0x3] =	sbarrier.arrive $0xFFFF  }
0x2ed: {  	_ =	shalt  }

// kernel: sparse-core-data-format-call.cloned.1.call-start
scs
called_computation_lowered:
.L_overlay_start_0:
0x0: {  	s2 =	sld [smem:$0x3FD9]  }
0x1: {  	s3 =	sld [smem:$0x3FFE];
	_ =	sdelay $0x1  }
0x2: {  	s1 =	srdreg.scid  }
0x3: {  	s0 =	sand.u32 $0x1, s1  }
0x4: {  	s18 =	sshll.u32 s0, $0xA;
	s2 =	sadd.s32 s3, s2  }
0x5: {  	s2 =	sadd.s32 s2, s18  }
0x6: {  	[smem:$0x3FC4] =	sst s2  }
0x7: {  	_ = 	snop  }
0x8: {  	s2 =	sld [smem:$0x3FD0];
	(tm) =	ssettm $0x1  }
0x9: {  	s19 =	sld [smem:$0x3FFB];
	_ =	sdelay $0x3  }
0xa: {  	_ =	strace s19  }
0xb: {  	s3 =	sld [smem:$0x3FFC];
	_ =	sdelay $0x3  }
0xc: {  	_ =	strace s3  }
0xd: {  	s3 =	sld [smem:$0x3FFD];
	_ =	sdelay $0x3  }
0xe: {  	_ =	strace s3  }
0xf: {  	_ =	strace $0x8FFFFFFF  }
0x10: {  	s20 =	sld [smem:$0x3FDB];
	_ =	sdelay $0x1  }
0x11: {  	s4 =	simm.s32 $_scs_section_size  }
0x12: {  	s5 =	simm.s32 $_size__tile_overlayer_lowered;
	s6 =	simm.s32 $_tile_overlayer_lowered  }
0x13: {  	s23 =	simm.s32 $0x1BFF;
	s22 =	sshll.u32 s6, $0x1;
	s3 =	sadd.s32 s4, s20  }
0x14: {  	s7 =	simm.s32 $0x0;
	s21 =	sshll.u32 s5, $0x1;
	s5 =	sadd.s32 s22, s3  }
0x15: {  	[timem:s7], [sflag:s23] =	dma.local [hbm:s5], s21  }
0x16: {  	_ =	swait.ge [sflag:s23], s21  }
0x17: {  	s4 =	ssub.s32 $0x0, s21;
	[sflag:s23] =	ssyncset.done $0x0  }
0x18: {  	[sflag:s23] =	ssyncadd.s32 s4;
	_ =	sdelay $0x1  }
0x19: {  	s24 =	simm.s32 $0x1B8B  }
0x1a: {  	_ =	swait.ge [sflag:s24], $0x1  }
0x1b: {  	[sflag:s24] =	ssyncset.done $0x0  }
0x1c: {  	s26 =	simm.s32 $0x1B8E;
	s25 =	sld [smem:$0x3FFE];
	[sflag:s24] =	ssyncadd.s32 $0xFFFFFFFF  }
0x1d: {  	s27 =	simm.s32 $execute0_lowered;
	[smem:$0x3FD2] =	sst s26  }
0x1e: {  	s5 =	sshll.u32 s27, $0x1;
	_ =	strace $0x80000049;
	[dreg:$0x1] =	wrdreg $0xFFFFFFFF  }
0x1f: {  	s28 =	simm.s32 $_size_execute0_lowered;
	s3 =	sadd.s32 s3, s5;
	[dreg:$0x0] =	wrdreg $0x0  }
0x20: {  	s5 =	sshll.u32 s28, $0x1;
	[dreg:$0x2] =	wrdreg s3  }
0x21: {  	[dreg:$0x3] =	wrdreg s5  }
0x22: {  	[dreg:$0x4] =	wrdreg $0xC0  }
0x23: {  	_ =	task [dreg:s7], $0x5FFFF  }
0x24: {  	[dreg:$0x1] =	wrdreg $0xFFFFFFFF  }
0x25: {  	[dreg:$0x0] =	wrdreg $0x60  }
0x26: {  	[dreg:$0x2] =	wrdreg s25  }
0x27: {  	[dreg:$0x3] =	wrdreg s2  }
0x28: {  	[dreg:$0x4] =	wrdreg $0x9  }
0x29: {  	_ =	task.clear_ibuf [dreg:s7], $0x5FFFF;
	_ =	strace $0x90000049  }
0x2a: {  	s29 =	simm.s32 $0x9;
	_ =	strace $0x8000004B  }
0x2b: {  	_ =	swait.ge [sflag:s29], $0x1  }
0x2c: {  	[sflag:s29] =	ssyncadd.s32 $0xFFFFFFFF  }
0x2d: {  	_ =	strace $0x9000004B  }
0x2e: {  	_ =	sfence  }
0x2f: {  	s30 =	sld [smem:$0x0];
	_ =	sdelay $0x2  }
0x30: {  	s31 =	sshll.u32 s1, $0xD;
	s1 =	sshrl.u32 s1, $0x2  }
0x31: {  	s3 =	sand.u32 $0x4000, s31;
	s1 =	sadd.s32 s1, s30  }
0x32: {  	s0 =	sor.u32 s3, s0;
	s1 =	sshll.u32 s1, $0x11  }
0x33: {  	s0 =	sor.u32 s1, s0  }
0x34: {  	s0 =	sadd.s32 $0x8F2B, s0  }
0x35: {  	[sflag:s0] =	ssyncadd.remote.s32 $0x1  }
0x36: {  	_ =	sfence.sel $0xFFFF  }
0x37: {  	[dreg:$0x0] =	wrdreg $0xFFFFFFFF;
	(pc) =	sbr.abs _section_cstart, $3  }
0x38: {  	[dreg:$0x1] =	wrdreg $0xFFFFFFFF  }
0x39: {  	_ =	task.clear_ibuf [dreg:s7], $0x2FFFF;
	_ =	strace $0x9FFFFFFF  }
0x3a: {  	(tm) =	ssettm $0x7FFFFFFF  }
0x3b: {  	_ =	shalt  }
tec
execute0_lowered:
.L_overlay_start_1:
0x0: {  	(tag) =	ssettag $0x1  }
0x1: {  	s0 =	srdreg.scid  }
0x2: {  	s1 =	sshll.u32 s0, $0x4  }
0x3: {  	s0 =	stileid.u32;
	s1 =	sand.u32 $0x10, s1  }
0x4: {  	s1 =	sor.u32 s0, s1  }
0x5: {  	s6 =	rddreg [dreg:$0x0];
	s4 =	simm.s32 $0x1;
	s2 =	sshll.u32 s1, $0x7  }
0x6: {  	s7 =	simm.s32 $0x2;
	s12 =	simm.s32 $0x0;
	s1 =	ssub.s32 $0x4000, s2  }
0x7: {  	s8 =	simm.s32 $0x20000;
	s13 =	simm.s32 $0x0;
	s3 =	sand.u32 $0xF80, s1  }
0x8: {  	s9 =	simm.s32 $0x0;
	s5 =	sshrl.u32 s1, $0xC;
	p0 =	sne.s32 s3, $0x0  }
.Ltmp0:
0x9: {  	s1 =	rddreg [dreg:$0x2];
	s4 =	simm.s32 @!p0 $0x0;
	(pc) =	sbr.rel .LBB1_1-.Ltmp0, $4  }
0xa: {  	s11 =	simm.s32 $0x0;
	s3 =	rddreg [dreg:$0x1];
	s5 =	sadd.s32 s4, s5  }
0xb: {  	_ =	strace $0x8000004A;
	s4 =	simm.s32 $0x1;
	s5 =	smul.u32 $0x1A, s5  }
0xc: {  	s6 =	sadd.s32 $0x600, s6;
	s10 =	smov.u32 s2;
	[sflag:s4] =	ssyncpa.u1 $0x0  }
0xd: {  	p0 =	por $0x0, $0x0;
	[sflag:s7] =	ssyncpa.u1 $0x0;
	s7 =	sor.u32 $0x1, s5  }
.LBB1_4:
0xe: {  	s16 =	sshll.u32 s13, $0x3;
	s17 =	sand.u32 $0x78, s13  }
0xf: {  	s30 =	sand.u32 $0x1F800, s13;
	s12 =	sshll.u32 s12, $0x11;
	s16 =	sand.u32 $0x3C00, s16  }
0x10: {  	[tilespmem:s15+$0x810 ss:$0x81] =	vst.msk $0xffff, v2;
	s31 =	sand.u32 $0x7, s13;
	s16 =	sor.u32 s17, s16;
	s17 =	sadd.s32 s3, s30  }
0x11: {  	[tilespmem:s15+$0x1020 ss:$0x81] =	vst.msk $0xffff, v0;
	s13 =	sshll.u32 s31, $0x12;
	s12 =	sadd.s32 s12, s17;
	s16 =	sshrl.u32 s16, $0x3  }
0x12: {  	[tilespmem:s15+$0x0 ss:$0x81] =	vst.msk $0xffff, v1;
	s13 =	sor.u32 $0x400, s13;
	s12 =	sadd.s32 s16, s12  }
0x13: {  	[hbm4b:s12+s13] =	stream.strided.scatter [tilespmem:s14], [sflag:$0x2], $0x2000, s8, s13, $0x20;
	[tilespmem:$0x8080] =	vst v63  }
.LBB1_5:
0x14: {  	s14 =	sadd.s32 $0x1, s9  }
0x15: {  	s12 =	sadd.s32 $0x1000, s10;
	s16 =	smov.u32 s10;
	p2 =	sgt.s32 s14, $0x19  }
0x16: {  	s16 =	smov.u32 @p2 s12  }
0x17: {  	s14 =	simm.s32 @p2 $0x0;
	p2 =	sgt.s32 s16, $0x3FFF  }
0x18: {  	s16 =	smov.u32 @p2 s2;
	p2 =	sne.s32 s11, s7  }
.Ltmp1:
0x19: {  	p1 =	slt.u32 s11, $0x2;
	(pc) =	sbr.rel @!p2 .LBB1_6-.Ltmp1, $4  }
0x1a: {  	s15 =	simm.s32 @!p1 $0x2  }
0x1b: {  	s13 =	smov.u32 s10;
	p0 =	por !p0, !p0;
	_ =	swait.ge @!p1 [sflag:s15], $0x2000  }
0x1c: {  	s12 =	smov.u32 s9;
	[sflag:s15] =	ssyncset.done @!p1 $0x0;
	s9 =	smov.u32 s14  }
0x1d: {  	s11 =	sadd.s32 $0x1, s11;
	[sflag:s15] =	ssyncadd.s32 @!p1 $0xFFFFE000;
	s10 =	smov.u32 s16  }
.LBB1_1:
0x1e: {  	p1 =	sge.u32 s11, s5  }
0x1f: {  	s31 =	sadd.s32 $0xFFFFFFFF, s11;
	s14 =	sxor.u32 @!p1 $0xFFFFFFFF, s11  }
0x20: {  	s15 =	sshll.u32 @!p1 s10, $0x9;
	s16 =	sshll.u32 @!p1 s9, $0x4;
	s17 =	simm.s32 @!p1 $0x1000  }
0x21: {  	s14 =	sshll.u32 @!p1 s14, $0xD;
	s16 =	sand.u32 @!p1 $0x1F0, s16;
	s15 =	sadd.s32 @!p1 s6, s15  }
0x22: {  	s14 =	sand.u32 @!p1 $0x2000, s14;
	s15 =	sadd.s32 @!p1 s16, s15;
	s16 =	simm.s32 @!p1 $0x40  }
0x23: {  	[tilespmem:s14], [sflag:$0x1] =	stream.strided.gather @!p1 [hbm4b:s15+s16], $0x2000, s17, s16, $0x38;
	[tilespmem:$0x8080] =	vst v63  }
0x24: {  	p1 =	sge.u32 s31, s5  }
.Ltmp2:
0x25: {  	_ = 	snop;
	(pc) =	sbr.rel @p1 .LBB1_5-.Ltmp2, $1  }
0x26: {  	_ =	sdelay $0x3  }
0x27: {  	s14 =	simm.s32 $0x1  }
0x28: {  	_ =	swait.ge [sflag:s4], $0x2000;
	s14 =	simm.s32 @!p0 $0x0  }
0x29: {  	[sflag:s4] =	ssyncset.done $0x0;
	s15 =	sshll.u32 s14, $0xD  }
0x2a: {  	[sflag:s4] =	ssyncadd.s32 $0xFFFFE000;
	s18 =	sor.u32 $0x20, s15  }
0x2b: {  	s14 =	smul.u32 $0x8100, s14;
	v3 =	vld [tilespmem:s18+$0x10]  }
0x2c: {  	s30 =	sand.u32 $0x1, s11;
	v2 =	vld [tilespmem:s18+$0xFFFFFFF0]  }
0x2d: {  	s15 =	smul.u32 $0x8100, s30;
	s14 =	sshrl.u32 s14, $0x2;
	v0 =	vld [tilespmem:s18+$0x0]  }
0x2e: {  	v1 =	vld [tilespmem:s18+$0xFFFFFFE0];
	s16 =	sor.u32 $0x4000, s14  }
0x2f: {  	s31 =	sshrl.u32 s15, $0x2;
	s15 =	sadd.s32 $0x0, s16  }
0x30: {  	s17 =	simm.s32 $0x4;
	s18 =	sadd.s32 $0x40, s18;
	s14 =	sor.u32 $0x4000, s31;
	[tilespmem:s15+$0x1830 ss:$0x81] =	vst.msk $0xffff, v3  }
.LBB1_3:
0x31: {  	v3 =	vld [tilespmem:s18+$0x10];
	p1 =	sne.s32 s17, $0x1FC;
	[tilespmem:s15+$0x810 ss:$0x81] =	vst.msk $0xffff, v2;
	s19 =	smov.u32 s17;
	s17 =	sadd.s32 $0x4, s17  }
.Ltmp3:
0x32: {  	v2 =	vld [tilespmem:s18+$0xFFFFFFF0];
	[tilespmem:s15+$0x1020 ss:$0x81] =	vst.msk $0xffff, v0;
	(pc) =	sbr.rel @p1 .LBB1_3-.Ltmp3, $4  }
0x33: {  	v0 =	vld [tilespmem:s18+$0x0];
	[tilespmem:s15+$0x0 ss:$0x81] =	vst.msk $0xffff, v1  }
0x34: {  	s15 =	sshra.s32 s19, $0x2;
	v1 =	vld [tilespmem:s18+$0xFFFFFFE0]  }
0x35: {  	s15 =	sadd.s32 s15, s16  }
0x36: {  	s18 =	sadd.s32 $0x40, s18;
	[tilespmem:s15+$0x1830 ss:$0x81] =	vst.msk $0xffff, v3  }
.Ltmp4:
0x37: {  	_ = 	snop;
	(pc) =	sbr.rel .LBB1_4-.Ltmp4, $1  }
0x38: {  	_ =	sdelay $0x3  }
.LBB1_6:
0x39: {  	_ =	sfence.sel $0x180000  }
0x3a: {  	s2 =	simm.s32 $0x1;
	[bflag:$0x0] =	sbarrier.arrive $0xFFFF  }
0x3b: {  	s31 =	simm.s32 $0x2;
	[sflag:s2] =	ssyncpa.u1 $0x1  }
0x3c: {  	[sflag:s31] =	ssyncpa.u1 $0x1  }
0x3d: {  	p0 =	sne.s32 s0, $0x0;
	_ =	strace $0x9000004A  }
0x3e: {  	s0 =	sadd.s32 @!p0 $0x100000, s1;
	[bflag:$0x2] =	sbarrier.arrive $0xFFFF  }
0x3f: {  	[sflag:s0] =	ssyncadd.tile.s32 @!p0 $0x1;
	_ =	shalt  }
.Lfunc_end1:
_tile_overlayer_lowered:
.L_overlay_start_2:
0x40: {  	(tag) =	ssettag $0x2  }
0x41: {  	s0 =	rddreg [dreg:$0x0];
	s2 =	stileid.u32  }
0x42: {  	s1 =	rddreg [dreg:$0x1];
	p0 =	sne.s32 s2, $0x0  }
0x43: {  	s3 =	rddreg [dreg:$0x2];
	[bflag:$0x3] =	sbarrier.arrive $0xFFFF;
	s2 =	simm.s32 @!p0 $0x1C01  }
0x44: {  	[timem:s3], [sflag:s2] =	dma.local @!p0 [hbm:s0], s1  }
0x45: {  	s0 =	simm.s32 @!p0 $0x1  }
0x46: {  	_ =	swait.ge @!p0 [sflag:s0], s1  }
0x47: {  	s1 =	ssub.s32 @!p0 $0x0, s1;
	[sflag:s0] =	ssyncset.done @!p0 $0x0  }
0x48: {  	[sflag:s0] =	ssyncadd.s32 @!p0 s1  }
0x49: {  	[bflag:$0x3] =	sbarrier.arrive $0xFFFF  }
0x4a: {  	_ =	shalt  }

</sc_bundles>
